<compile_context>
chip_gen: v7x
topology: tpu7x:2x2x1
jax: 0.10.2.dev20260603
libtpu: 0.0.44.dev20260713+nightly
codegen_flags: <defaults>
</compile_context>

<pallas_src>
import functools

import jax
import jax.numpy as jnp
from jax import lax
from jax.experimental import pallas as pl
from jax.experimental.pallas import tpu as pltpu
from jax.experimental.pallas import tpu_sc as plsc

V = 1000
D = 128
B = 16384
K = 5
VP = 1024
NW = 32
BPW = B // NW
OPW = BPW * (K + 1)
CHUNK = 128
NCH = OPW // CHUNK
LANES = 16


def _ce_table_body(te_ref, ce_ref, bias_ref, out_ref):
    a = lax.dot_general(te_ref[...].astype(jnp.bfloat16),
                        ce_ref[...].astype(jnp.bfloat16),
                        (((1,), (1,)), ((), ())),
                        preferred_element_type=jnp.float32)
    x = a + bias_ref[...].reshape(1, VP)
    relu = jnp.maximum(x, 0.0)
    s = jnp.log1p(jnp.exp(-jnp.abs(x)))
    pos = relu - x + s
    neg = relu + s
    pu = lax.bitcast_convert_type(pos.astype(jnp.bfloat16), jnp.uint16)
    nu = lax.bitcast_convert_type(neg.astype(jnp.bfloat16), jnp.uint16)
    packed = (pu.astype(jnp.uint32) | (nu.astype(jnp.uint32) << 16)).astype(jnp.int32)
    out_ref[...] = packed.reshape(TR * 8, 128)


TR = 512


def _build_ce_table(te, ce, bias_tile):
    return pl.pallas_call(
        _ce_table_body,
        grid=(VP // TR,),
        in_specs=[
            pl.BlockSpec((TR, D), lambda i: (i, 0)),
            pl.BlockSpec((VP, D), lambda i: (0, 0)),
            pl.BlockSpec((VP,), lambda i: (0,)),
        ],
        out_specs=pl.BlockSpec((TR * 8, 128), lambda i: (i, 0)),
        out_shape=jax.ShapeDtypeStruct((VP * 8, 128), jnp.int32),
    )(te, ce, bias_tile)


def _gather_body(table_hbm, tgt_hbm, ctx_hbm, neg_hbm, out_hbm,
                 tgt_v, ctx_v, neg_v, idx_v, vals_v, out_v, in_sem, sems):
    wid = lax.axis_index("s") * 2 + lax.axis_index("c")
    base = wid * BPW
    in_cp = [
        pltpu.async_copy(tgt_hbm.at[pl.ds(base, BPW)], tgt_v, in_sem),
        pltpu.async_copy(ctx_hbm.at[pl.ds(base, BPW)], ctx_v, in_sem),
        pltpu.async_copy(neg_hbm.at[pl.ds(base * K, BPW * K)], neg_v, in_sem),
    ]
    for cp in in_cp:
        cp.wait()

    iota = lax.iota(jnp.int32, LANES)
    G = BPW // LANES
    NSC = BPW // CHUNK

    copies = []
    for k in range(K + 1):
        def build(g, carry, k=k):
            off = g * LANES
            t = tgt_v[pl.ds(off, LANES)]
            if k == 0:
                c = ctx_v[pl.ds(off, LANES)]
            else:
                c = plsc.load_gather(neg_v, [(off + iota) * K + (k - 1)])
            idx_v[pl.ds(k * BPW + off, LANES)] = lax.shift_left(t, 10) | c
            return carry

        lax.fori_loop(0, G, build, 0)
        for ch in range(NSC):
            s = k * BPW + ch * CHUNK
            copies.append(pltpu.async_copy(
                table_hbm.at[idx_v.at[pl.ds(s, CHUNK)]],
                vals_v.at[pl.ds(s, CHUNK)],
                sems[k]))

    for k in range(K + 1):
        for ch in range(NSC):
            copies[k * NSC + ch].wait()

        kvec = jnp.full((LANES,), k, jnp.int32)

        def unpack(g, carry, k=k, kvec=kvec):
            off = g * LANES
            v = vals_v[pl.ds(k * BPW + off, LANES)]
            if k == 0:
                f = plsc.bitcast(lax.shift_left(v, 16), jnp.float32)
            else:
                f = plsc.bitcast(v & jnp.int32(-65536), jnp.float32)
            plsc.store_scatter(out_v, [off + iota, kvec], f)
            return carry

        lax.fori_loop(0, G, unpack, 0)

    pltpu.sync_copy(out_v, out_hbm.at[pl.ds(base, BPW)])


@functools.cache
def _gather_call():
    return pl.kernel(
        _gather_body,
        out_type=jax.ShapeDtypeStruct((B, K + 1), jnp.float32),
        mesh=plsc.VectorSubcoreMesh(core_axis_name="c", subcore_axis_name="s"),
        compiler_params=pltpu.CompilerParams(needs_layout_passes=False),
        scratch_types=[
            pltpu.VMEM((BPW,), jnp.int32),
            pltpu.VMEM((BPW,), jnp.int32),
            pltpu.VMEM((BPW * K,), jnp.int32),
            pltpu.VMEM((OPW,), jnp.int32),
            pltpu.VMEM((OPW,), jnp.int32),
            pltpu.VMEM((BPW, K + 1), jnp.float32),
            pltpu.SemaphoreType.DMA,
            [pltpu.SemaphoreType.DMA] * (K + 1),
        ],
    )


def kernel(input_targets, input_contexts, target_embedding, context_embedding,
           biases, negative_samples):
    table = _build_ce_table(target_embedding, context_embedding, biases)
    return _gather_call()(table.reshape(VP * VP),
                          input_targets, input_contexts, negative_samples)

# --- scband reference (transcript-rebuilt; emitter-appended) ---
"""Pipeline reference for scband-word2-vec-sgnsmodel-50422916055355 (READ-ONLY COPY).

The authoritative reference and input builder live on the scoring server;
editing this copy changes nothing except your own understanding.
"""

import jax, jax.numpy as jnp
import numpy as np

V = 1000
D = 128
B = 16384
K = 5


def _sigmoid_ce(labels, logits):
    # tf.nn.sigmoid_cross_entropy_with_logits, numerically stable form
    return jnp.maximum(logits, 0.0) - logits * labels + jnp.log1p(jnp.exp(-jnp.abs(logits)))


def setup_inputs(seed: int = 0) -> dict:
    key = jax.random.key(seed)
    k1, k2, k3, k4, k5 = jax.random.split(key, 5)
    input_targets = jax.random.randint(k1, (B,), 0, V, dtype=jnp.int32)
    input_contexts = jax.random.randint(k2, (B,), 0, V, dtype=jnp.int32)
    target_embedding = jax.random.uniform(k3, (V, D), minval=-0.5 / D, maxval=0.5 / D, dtype=jnp.float32)
    context_embedding = jax.random.uniform(k4, (V, D), minval=-0.1, maxval=0.1, dtype=jnp.float32)
    biases = jnp.zeros((V,), dtype=jnp.float32)
    # fixed unigram negative sampler (counts all equal -> uniform after distortion)
    counts = jnp.full((V,), 5.0, dtype=jnp.float32)
    unigram_logits = 0.75 * jnp.log(counts)
    negative_samples = jax.random.categorical(k5, unigram_logits, shape=(B * K,)).astype(jnp.int32)
    return {
        'input_targets': input_targets,
        'input_contexts': input_contexts,
        'target_embedding': target_embedding,
        'context_embedding': context_embedding,
        'biases': biases,
        'negative_samples': negative_samples,
    }


def reference(input_targets, input_contexts, target_embedding, context_embedding, biases, negative_samples):
    inputs_target_embedding = jnp.take(target_embedding, input_targets, axis=0)          # [B, D]
    inputs_context_embedding = jnp.take(context_embedding, input_contexts, axis=0)       # [B, D]
    positive_logits = jnp.sum(inputs_target_embedding * inputs_context_embedding, axis=1)  # [B]
    negative_samples_mat = negative_samples.reshape(B, K)                                # [B, K]
    negative_samples_embedding = jnp.take(context_embedding, negative_samples_mat, axis=0)  # [B, K, D]
    negative_logits = jnp.einsum('bd,bkd->bk', inputs_target_embedding, negative_samples_embedding)  # [B, K]
    # add_bias = True
    positive_logits = positive_logits + jnp.take(biases, input_contexts, axis=0)
    negative_logits = negative_logits + jnp.take(biases, negative_samples_mat, axis=0)
    positive_ce = _sigmoid_ce(jnp.ones_like(positive_logits), positive_logits)
    negative_ce = _sigmoid_ce(jnp.zeros_like(negative_logits), negative_logits)
    loss = jnp.concatenate([positive_ce[:, None], negative_ce], axis=1)                  # [B, K+1]
    return loss

if __name__ == "__main__":
    import jax
    _d = setup_inputs()
    print(jax.jit(kernel)(*tuple(_d.values())))

</pallas_src>

<mosaic_0001>
#map = affine_map<(d0, d1) -> (0)>
#map1 = affine_map<(d0, d1) -> (0, 0)>
module attributes {stable_mosaic.version = 14 : i64} {
  func.func @_gather_body(%arg0: i32, %arg1: i32, %arg2: memref<1048576xi32, #tpu.memory_space<hbm>>, %arg3: memref<16384xi32, #tpu.memory_space<hbm>>, %arg4: memref<16384xi32, #tpu.memory_space<hbm>>, %arg5: memref<81920xi32, #tpu.memory_space<hbm>>, %arg6: memref<16384x6xf32, #tpu.memory_space<hbm>>, %arg7: memref<512xi32, #tpu.memory_space<vmem>>, %arg8: memref<512xi32, #tpu.memory_space<vmem>>, %arg9: memref<2560xi32, #tpu.memory_space<vmem>>, %arg10: memref<3072xi32, #tpu.memory_space<vmem>>, %arg11: memref<3072xi32, #tpu.memory_space<vmem>>, %arg12: memref<512x6xf32, #tpu.memory_space<vmem>>, %arg13: memref<!tpu.dma_semaphore, #tpu.memory_space<semaphore_mem>>, %arg14: memref<!tpu.dma_semaphore, #tpu.memory_space<semaphore_mem>>, %arg15: memref<!tpu.dma_semaphore, #tpu.memory_space<semaphore_mem>>, %arg16: memref<!tpu.dma_semaphore, #tpu.memory_space<semaphore_mem>>, %arg17: memref<!tpu.dma_semaphore, #tpu.memory_space<semaphore_mem>>, %arg18: memref<!tpu.dma_semaphore, #tpu.memory_space<semaphore_mem>>, %arg19: memref<!tpu.dma_semaphore, #tpu.memory_space<semaphore_mem>>) attributes {dimension_semantics = [#tpu.dimension_semantics<core_parallel>, #tpu.dimension_semantics<subcore_parallel>], iteration_bounds = array<i64: 2, 16>, scalar_prefetch = 0 : i64, scratch_operands = 13 : i64, tpu.core_type = #tpu.core_type<sc_vector_subcore>, window_params = [{transform_indices = #map}, {transform_indices = #map}, {transform_indices = #map}, {transform_indices = #map}, {transform_indices = #map1}]} {
    %mul3A = arith.constant 2 : i32
    %mul3A_0 = arith.muli %arg1, %mul3A : i32
    %add3A = arith.addi %mul3A_0, %arg0 : i32
    %mul3A_1 = arith.constant 512 : i32
    %mul3A_2 = arith.muli %add3A, %mul3A_1 : i32
    %dma_start3A = tpu.memref_slice %arg3[%mul3A_2] : memref<16384xi32, #tpu.memory_space<hbm>> -> memref<512xi32, #tpu.memory_space<hbm>>
    %dma_start3A_3 = tpu.memref_slice %arg3[%mul3A_2] : memref<16384xi32, #tpu.memory_space<hbm>> -> memref<512xi32, #tpu.memory_space<hbm>>
    tpu.enqueue_dma source(%dma_start3A_3 : memref<512xi32, #tpu.memory_space<hbm>>) target(%arg7 : memref<512xi32, #tpu.memory_space<vmem>>) target_semaphore(%arg13 : memref<!tpu.dma_semaphore, #tpu.memory_space<semaphore_mem>>)
    %dma_start3A_4 = tpu.memref_slice %arg4[%mul3A_2] : memref<16384xi32, #tpu.memory_space<hbm>> -> memref<512xi32, #tpu.memory_space<hbm>>
    %dma_start3A_5 = tpu.memref_slice %arg4[%mul3A_2] : memref<16384xi32, #tpu.memory_space<hbm>> -> memref<512xi32, #tpu.memory_space<hbm>>
    tpu.enqueue_dma source(%dma_start3A_5 : memref<512xi32, #tpu.memory_space<hbm>>) target(%arg8 : memref<512xi32, #tpu.memory_space<vmem>>) target_semaphore(%arg13 : memref<!tpu.dma_semaphore, #tpu.memory_space<semaphore_mem>>)
    %mul3A_6 = arith.constant 5 : i32
    %mul3A_7 = arith.muli %mul3A_2, %mul3A_6 : i32
    %dma_start3A_8 = tpu.memref_slice %arg5[%mul3A_7] : memref<81920xi32, #tpu.memory_space<hbm>> -> memref<2560xi32, #tpu.memory_space<hbm>>
    %dma_start3A_9 = tpu.memref_slice %arg5[%mul3A_7] : memref<81920xi32, #tpu.memory_space<hbm>> -> memref<2560xi32, #tpu.memory_space<hbm>>
    tpu.enqueue_dma source(%dma_start3A_9 : memref<2560xi32, #tpu.memory_space<hbm>>) target(%arg9 : memref<2560xi32, #tpu.memory_space<vmem>>) target_semaphore(%arg13 : memref<!tpu.dma_semaphore, #tpu.memory_space<semaphore_mem>>)
    %dma_wait3A = tpu.memref_slice %arg3[%mul3A_2] : memref<16384xi32, #tpu.memory_space<hbm>> -> memref<512xi32, #tpu.memory_space<hbm>>
    %dma_wait3A_10 = tpu.memref_slice %arg3[%mul3A_2] : memref<16384xi32, #tpu.memory_space<hbm>> -> memref<512xi32, #tpu.memory_space<hbm>>
    tpu.wait_dma2 semaphore(%arg13 : memref<!tpu.dma_semaphore, #tpu.memory_space<semaphore_mem>>) src(%dma_wait3A_10 : memref<512xi32, #tpu.memory_space<hbm>>) dst(%arg7 : memref<512xi32, #tpu.memory_space<vmem>>)
    %dma_wait3A_11 = tpu.memref_slice %arg4[%mul3A_2] : memref<16384xi32, #tpu.memory_space<hbm>> -> memref<512xi32, #tpu.memory_space<hbm>>
    %dma_wait3A_12 = tpu.memref_slice %arg4[%mul3A_2] : memref<16384xi32, #tpu.memory_space<hbm>> -> memref<512xi32, #tpu.memory_space<hbm>>
    tpu.wait_dma2 semaphore(%arg13 : memref<!tpu.dma_semaphore, #tpu.memory_space<semaphore_mem>>) src(%dma_wait3A_12 : memref<512xi32, #tpu.memory_space<hbm>>) dst(%arg8 : memref<512xi32, #tpu.memory_space<vmem>>)
    %dma_wait3A_13 = tpu.memref_slice %arg5[%mul3A_7] : memref<81920xi32, #tpu.memory_space<hbm>> -> memref<2560xi32, #tpu.memory_space<hbm>>
    %dma_wait3A_14 = tpu.memref_slice %arg5[%mul3A_7] : memref<81920xi32, #tpu.memory_space<hbm>> -> memref<2560xi32, #tpu.memory_space<hbm>>
    tpu.wait_dma2 semaphore(%arg13 : memref<!tpu.dma_semaphore, #tpu.memory_space<semaphore_mem>>) src(%dma_wait3A_14 : memref<2560xi32, #tpu.memory_space<hbm>>) dst(%arg9 : memref<2560xi32, #tpu.memory_space<vmem>>)
    %iota3A = tpu.iota {dimensions = array<i32: 0>} : vector<16xi32>
    %scan3A = arith.constant 0 : i32
    %scan3A_15 = arith.constant 0 : i32
    %scan3A_16 = arith.constant 32 : i32
    %scan3A_17 = arith.addi %scan3A_15, %scan3A_16 : i32
    %scan3A_18 = arith.constant 1 : i32
    scf.for %scan3A_385 = %scan3A_15 to %scan3A_17 step %scan3A_18  : i32 {
      %mul3A_386 = arith.constant 16 : i32
      %mul3A_387 = arith.muli %scan3A_385, %mul3A_386 : i32
      %get3A = arith.index_cast %mul3A_387 : i32 to index
      %get3A_388 = tpu.vector_load %arg7[%get3A] {strides = array<i32>} : memref<512xi32, #tpu.memory_space<vmem>>, vector<16xi32>,
      %get3A_389 = arith.index_cast %mul3A_387 : i32 to index
      %get3A_390 = tpu.vector_load %arg8[%get3A_389] {strides = array<i32>} : memref<512xi32, #tpu.memory_space<vmem>>, vector<16xi32>,
      %shift_left3A = arith.constant 10 : i32
      %shift_left3A_391 = vector.broadcast %shift_left3A : i32 to vector<16xi32>
      %shift_left3A_392 = arith.shli %get3A_388, %shift_left3A_391 : vector<16xi32>
      %or3A = arith.ori %shift_left3A_392, %get3A_390 : vector<16xi32>
      %add3A_393 = arith.constant 0 : i32
      %add3A_394 = arith.addi %add3A_393, %mul3A_387 : i32
      %swap3A = arith.index_cast %add3A_394 : i32 to index
      %swap3A_395 = tpu.vector_load %arg10[%swap3A] {strides = array<i32>} : memref<3072xi32, #tpu.memory_space<vmem>>, vector<16xi32>,
      tpu.vector_store %arg10[%swap3A], %or3A {strides = array<i32>} : memref<3072xi32, #tpu.memory_space<vmem>>, vector<16xi32>,
    }
    %scan3A_19 = arith.constant 32 : i32
    %dma_start3A_20 = arith.constant 0 : i32
    %dma_start3A_21 = tpu.memref_slice %arg11[%dma_start3A_20] : memref<3072xi32, #tpu.memory_space<vmem>> -> memref<128xi32, #tpu.memory_space<vmem>>
    %dma_start3A_22 = arith.constant 0 : i32
    %dma_start3A_23 = tpu.memref_slice %arg10[%dma_start3A_22] : memref<3072xi32, #tpu.memory_space<vmem>> -> memref<128xi32, #tpu.memory_space<vmem>>
    %dma_start3A_24 = arith.constant 0 : i32
    %dma_start3A_25 = tpu.memref_slice %arg2[%dma_start3A_24] : memref<1048576xi32, #tpu.memory_space<hbm>> -> memref<1048576xi32, #tpu.memory_space<hbm>>
    tpu.enqueue_indirect_dma source(%dma_start3A_25 : memref<1048576xi32, #tpu.memory_space<hbm>>) target(%dma_start3A_21 : memref<128xi32, #tpu.memory_space<vmem>>) offsets(%dma_start3A_23 : memref<128xi32, #tpu.memory_space<vmem>>) semaphore(%arg14 : memref<!tpu.dma_semaphore, #tpu.memory_space<semaphore_mem>>)
    %dma_start3A_26 = arith.constant 128 : i32
    %dma_start3A_27 = tpu.memref_slice %arg11[%dma_start3A_26] : memref<3072xi32, #tpu.memory_space<vmem>> -> memref<128xi32, #tpu.memory_space<vmem>>
    %dma_start3A_28 = arith.constant 128 : i32
    %dma_start3A_29 = tpu.memref_slice %arg10[%dma_start3A_28] : memref<3072xi32, #tpu.memory_space<vmem>> -> memref<128xi32, #tpu.memory_space<vmem>>
    %dma_start3A_30 = arith.constant 0 : i32
    %dma_start3A_31 = tpu.memref_slice %arg2[%dma_start3A_30] : memref<1048576xi32, #tpu.memory_space<hbm>> -> memref<1048576xi32, #tpu.memory_space<hbm>>
    tpu.enqueue_indirect_dma source(%dma_start3A_31 : memref<1048576xi32, #tpu.memory_space<hbm>>) target(%dma_start3A_27 : memref<128xi32, #tpu.memory_space<vmem>>) offsets(%dma_start3A_29 : memref<128xi32, #tpu.memory_space<vmem>>) semaphore(%arg14 : memref<!tpu.dma_semaphore, #tpu.memory_space<semaphore_mem>>)
    %dma_start3A_32 = arith.constant 256 : i32
    %dma_start3A_33 = tpu.memref_slice %arg11[%dma_start3A_32] : memref<3072xi32, #tpu.memory_space<vmem>> -> memref<128xi32, #tpu.memory_space<vmem>>
    %dma_start3A_34 = arith.constant 256 : i32
    %dma_start3A_35 = tpu.memref_slice %arg10[%dma_start3A_34] : memref<3072xi32, #tpu.memory_space<vmem>> -> memref<128xi32, #tpu.memory_space<vmem>>
    %dma_start3A_36 = arith.constant 0 : i32
    %dma_start3A_37 = tpu.memref_slice %arg2[%dma_start3A_36] : memref<1048576xi32, #tpu.memory_space<hbm>> -> memref<1048576xi32, #tpu.memory_space<hbm>>
    tpu.enqueue_indirect_dma source(%dma_start3A_37 : memref<1048576xi32, #tpu.memory_space<hbm>>) target(%dma_start3A_33 : memref<128xi32, #tpu.memory_space<vmem>>) offsets(%dma_start3A_35 : memref<128xi32, #tpu.memory_space<vmem>>) semaphore(%arg14 : memref<!tpu.dma_semaphore, #tpu.memory_space<semaphore_mem>>)
    %dma_start3A_38 = arith.constant 384 : i32
    %dma_start3A_39 = tpu.memref_slice %arg11[%dma_start3A_38] : memref<3072xi32, #tpu.memory_space<vmem>> -> memref<128xi32, #tpu.memory_space<vmem>>
    %dma_start3A_40 = arith.constant 384 : i32
    %dma_start3A_41 = tpu.memref_slice %arg10[%dma_start3A_40] : memref<3072xi32, #tpu.memory_space<vmem>> -> memref<128xi32, #tpu.memory_space<vmem>>
    %dma_start3A_42 = arith.constant 0 : i32
    %dma_start3A_43 = tpu.memref_slice %arg2[%dma_start3A_42] : memref<1048576xi32, #tpu.memory_space<hbm>> -> memref<1048576xi32, #tpu.memory_space<hbm>>
    tpu.enqueue_indirect_dma source(%dma_start3A_43 : memref<1048576xi32, #tpu.memory_space<hbm>>) target(%dma_start3A_39 : memref<128xi32, #tpu.memory_space<vmem>>) offsets(%dma_start3A_41 : memref<128xi32, #tpu.memory_space<vmem>>) semaphore(%arg14 : memref<!tpu.dma_semaphore, #tpu.memory_space<semaphore_mem>>)
    %scan3A_44 = arith.constant 0 : i32
    %scan3A_45 = arith.constant 0 : i32
    %scan3A_46 = arith.constant 32 : i32
    %scan3A_47 = arith.addi %scan3A_45, %scan3A_46 : i32
    %scan3A_48 = arith.constant 1 : i32
    scf.for %scan3A_385 = %scan3A_45 to %scan3A_47 step %scan3A_48  : i32 {
      %mul3A_386 = arith.constant 16 : i32
      %mul3A_387 = arith.muli %scan3A_385, %mul3A_386 : i32
      %get3A = arith.index_cast %mul3A_387 : i32 to index
      %get3A_388 = tpu.vector_load %arg7[%get3A] {strides = array<i32>} : memref<512xi32, #tpu.memory_space<vmem>>, vector<16xi32>,
      %add3A_389 = vector.broadcast %mul3A_387 : i32 to vector<16xi32>
      %add3A_390 = arith.addi %add3A_389, %iota3A : vector<16xi32>
      %mul3A_391 = arith.constant 5 : i32
      %mul3A_392 = vector.broadcast %mul3A_391 : i32 to vector<16xi32>
      %mul3A_393 = arith.muli %add3A_390, %mul3A_392 : vector<16xi32>
      %add3A_394 = arith.constant 0 : i32
      %add3A_395 = vector.broadcast %add3A_394 : i32 to vector<16xi32>
      %add3A_396 = arith.addi %mul3A_393, %add3A_395 : vector<16xi32>
      %gather3A = tpu.vector_load_idx %arg9[%add3A_396] : memref<2560xi32, #tpu.memory_space<vmem>>[vector<16xi32>], vector<16xi32>,
      %shift_left3A = arith.constant 10 : i32
      %shift_left3A_397 = vector.broadcast %shift_left3A : i32 to vector<16xi32>
      %shift_left3A_398 = arith.shli %get3A_388, %shift_left3A_397 : vector<16xi32>
      %or3A = arith.ori %shift_left3A_398, %gather3A : vector<16xi32>
      %add3A_399 = arith.constant 512 : i32
      %add3A_400 = arith.addi %add3A_399, %mul3A_387 : i32
      %swap3A = arith.index_cast %add3A_400 : i32 to index
      %swap3A_401 = tpu.vector_load %arg10[%swap3A] {strides = array<i32>} : memref<3072xi32, #tpu.memory_space<vmem>>, vector<16xi32>,
      tpu.vector_store %arg10[%swap3A], %or3A {strides = array<i32>} : memref<3072xi32, #tpu.memory_space<vmem>>, vector<16xi32>,
    }
    %scan3A_49 = arith.constant 32 : i32
    %dma_start3A_50 = arith.constant 512 : i32
    %dma_start3A_51 = tpu.memref_slice %arg11[%dma_start3A_50] : memref<3072xi32, #tpu.memory_space<vmem>> -> memref<128xi32, #tpu.memory_space<vmem>>
    %dma_start3A_52 = arith.constant 512 : i32
    %dma_start3A_53 = tpu.memref_slice %arg10[%dma_start3A_52] : memref<3072xi32, #tpu.memory_space<vmem>> -> memref<128xi32, #tpu.memory_space<vmem>>
    %dma_start3A_54 = arith.constant 0 : i32
    %dma_start3A_55 = tpu.memref_slice %arg2[%dma_start3A_54] : memref<1048576xi32, #tpu.memory_space<hbm>> -> memref<1048576xi32, #tpu.memory_space<hbm>>
    tpu.enqueue_indirect_dma source(%dma_start3A_55 : memref<1048576xi32, #tpu.memory_space<hbm>>) target(%dma_start3A_51 : memref<128xi32, #tpu.memory_space<vmem>>) offsets(%dma_start3A_53 : memref<128xi32, #tpu.memory_space<vmem>>) semaphore(%arg15 : memref<!tpu.dma_semaphore, #tpu.memory_space<semaphore_mem>>)
    %dma_start3A_56 = arith.constant 640 : i32
    %dma_start3A_57 = tpu.memref_slice %arg11[%dma_start3A_56] : memref<3072xi32, #tpu.memory_space<vmem>> -> memref<128xi32, #tpu.memory_space<vmem>>
    %dma_start3A_58 = arith.constant 640 : i32
    %dma_start3A_59 = tpu.memref_slice %arg10[%dma_start3A_58] : memref<3072xi32, #tpu.memory_space<vmem>> -> memref<128xi32, #tpu.memory_space<vmem>>
    %dma_start3A_60 = arith.constant 0 : i32
    %dma_start3A_61 = tpu.memref_slice %arg2[%dma_start3A_60] : memref<1048576xi32, #tpu.memory_space<hbm>> -> memref<1048576xi32, #tpu.memory_space<hbm>>
    tpu.enqueue_indirect_dma source(%dma_start3A_61 : memref<1048576xi32, #tpu.memory_space<hbm>>) target(%dma_start3A_57 : memref<128xi32, #tpu.memory_space<vmem>>) offsets(%dma_start3A_59 : memref<128xi32, #tpu.memory_space<vmem>>) semaphore(%arg15 : memref<!tpu.dma_semaphore, #tpu.memory_space<semaphore_mem>>)
    %dma_start3A_62 = arith.constant 768 : i32
    %dma_start3A_63 = tpu.memref_slice %arg11[%dma_start3A_62] : memref<3072xi32, #tpu.memory_space<vmem>> -> memref<128xi32, #tpu.memory_space<vmem>>
    %dma_start3A_64 = arith.constant 768 : i32
    %dma_start3A_65 = tpu.memref_slice %arg10[%dma_start3A_64] : memref<3072xi32, #tpu.memory_space<vmem>> -> memref<128xi32, #tpu.memory_space<vmem>>
    %dma_start3A_66 = arith.constant 0 : i32
    %dma_start3A_67 = tpu.memref_slice %arg2[%dma_start3A_66] : memref<1048576xi32, #tpu.memory_space<hbm>> -> memref<1048576xi32, #tpu.memory_space<hbm>>
    tpu.enqueue_indirect_dma source(%dma_start3A_67 : memref<1048576xi32, #tpu.memory_space<hbm>>) target(%dma_start3A_63 : memref<128xi32, #tpu.memory_space<vmem>>) offsets(%dma_start3A_65 : memref<128xi32, #tpu.memory_space<vmem>>) semaphore(%arg15 : memref<!tpu.dma_semaphore, #tpu.memory_space<semaphore_mem>>)
    %dma_start3A_68 = arith.constant 896 : i32
    %dma_start3A_69 = tpu.memref_slice %arg11[%dma_start3A_68] : memref<3072xi32, #tpu.memory_space<vmem>> -> memref<128xi32, #tpu.memory_space<vmem>>
    %dma_start3A_70 = arith.constant 896 : i32
    %dma_start3A_71 = tpu.memref_slice %arg10[%dma_start3A_70] : memref<3072xi32, #tpu.memory_space<vmem>> -> memref<128xi32, #tpu.memory_space<vmem>>
    %dma_start3A_72 = arith.constant 0 : i32
    %dma_start3A_73 = tpu.memref_slice %arg2[%dma_start3A_72] : memref<1048576xi32, #tpu.memory_space<hbm>> -> memref<1048576xi32, #tpu.memory_space<hbm>>
    tpu.enqueue_indirect_dma source(%dma_start3A_73 : memref<1048576xi32, #tpu.memory_space<hbm>>) target(%dma_start3A_69 : memref<128xi32, #tpu.memory_space<vmem>>) offsets(%dma_start3A_71 : memref<128xi32, #tpu.memory_space<vmem>>) semaphore(%arg15 : memref<!tpu.dma_semaphore, #tpu.memory_space<semaphore_mem>>)
    %scan3A_74 = arith.constant 0 : i32
    %scan3A_75 = arith.constant 0 : i32
    %scan3A_76 = arith.constant 32 : i32
    %scan3A_77 = arith.addi %scan3A_75, %scan3A_76 : i32
    %scan3A_78 = arith.constant 1 : i32
    scf.for %scan3A_385 = %scan3A_75 to %scan3A_77 step %scan3A_78  : i32 {
      %mul3A_386 = arith.constant 16 : i32
      %mul3A_387 = arith.muli %scan3A_385, %mul3A_386 : i32
      %get3A = arith.index_cast %mul3A_387 : i32 to index
      %get3A_388 = tpu.vector_load %arg7[%get3A] {strides = array<i32>} : memref<512xi32, #tpu.memory_space<vmem>>, vector<16xi32>,
      %add3A_389 = vector.broadcast %mul3A_387 : i32 to vector<16xi32>
      %add3A_390 = arith.addi %add3A_389, %iota3A : vector<16xi32>
      %mul3A_391 = arith.constant 5 : i32
      %mul3A_392 = vector.broadcast %mul3A_391 : i32 to vector<16xi32>
      %mul3A_393 = arith.muli %add3A_390, %mul3A_392 : vector<16xi32>
      %add3A_394 = arith.constant 1 : i32
      %add3A_395 = vector.broadcast %add3A_394 : i32 to vector<16xi32>
      %add3A_396 = arith.addi %mul3A_393, %add3A_395 : vector<16xi32>
      %gather3A = tpu.vector_load_idx %arg9[%add3A_396] : memref<2560xi32, #tpu.memory_space<vmem>>[vector<16xi32>], vector<16xi32>,
      %shift_left3A = arith.constant 10 : i32
      %shift_left3A_397 = vector.broadcast %shift_left3A : i32 to vector<16xi32>
      %shift_left3A_398 = arith.shli %get3A_388, %shift_left3A_397 : vector<16xi32>
      %or3A = arith.ori %shift_left3A_398, %gather3A : vector<16xi32>
      %add3A_399 = arith.constant 1024 : i32
      %add3A_400 = arith.addi %add3A_399, %mul3A_387 : i32
      %swap3A = arith.index_cast %add3A_400 : i32 to index
      %swap3A_401 = tpu.vector_load %arg10[%swap3A] {strides = array<i32>} : memref<3072xi32, #tpu.memory_space<vmem>>, vector<16xi32>,
      tpu.vector_store %arg10[%swap3A], %or3A {strides = array<i32>} : memref<3072xi32, #tpu.memory_space<vmem>>, vector<16xi32>,
    }
    %scan3A_79 = arith.constant 32 : i32
    %dma_start3A_80 = arith.constant 1024 : i32
    %dma_start3A_81 = tpu.memref_slice %arg11[%dma_start3A_80] : memref<3072xi32, #tpu.memory_space<vmem>> -> memref<128xi32, #tpu.memory_space<vmem>>
    %dma_start3A_82 = arith.constant 1024 : i32
    %dma_start3A_83 = tpu.memref_slice %arg10[%dma_start3A_82] : memref<3072xi32, #tpu.memory_space<vmem>> -> memref<128xi32, #tpu.memory_space<vmem>>
    %dma_start3A_84 = arith.constant 0 : i32
    %dma_start3A_85 = tpu.memref_slice %arg2[%dma_start3A_84] : memref<1048576xi32, #tpu.memory_space<hbm>> -> memref<1048576xi32, #tpu.memory_space<hbm>>
    tpu.enqueue_indirect_dma source(%dma_start3A_85 : memref<1048576xi32, #tpu.memory_space<hbm>>) target(%dma_start3A_81 : memref<128xi32, #tpu.memory_space<vmem>>) offsets(%dma_start3A_83 : memref<128xi32, #tpu.memory_space<vmem>>) semaphore(%arg16 : memref<!tpu.dma_semaphore, #tpu.memory_space<semaphore_mem>>)
    %dma_start3A_86 = arith.constant 1152 : i32
    %dma_start3A_87 = tpu.memref_slice %arg11[%dma_start3A_86] : memref<3072xi32, #tpu.memory_space<vmem>> -> memref<128xi32, #tpu.memory_space<vmem>>
    %dma_start3A_88 = arith.constant 1152 : i32
    %dma_start3A_89 = tpu.memref_slice %arg10[%dma_start3A_88] : memref<3072xi32, #tpu.memory_space<vmem>> -> memref<128xi32, #tpu.memory_space<vmem>>
    %dma_start3A_90 = arith.constant 0 : i32
    %dma_start3A_91 = tpu.memref_slice %arg2[%dma_start3A_90] : memref<1048576xi32, #tpu.memory_space<hbm>> -> memref<1048576xi32, #tpu.memory_space<hbm>>
    tpu.enqueue_indirect_dma source(%dma_start3A_91 : memref<1048576xi32, #tpu.memory_space<hbm>>) target(%dma_start3A_87 : memref<128xi32, #tpu.memory_space<vmem>>) offsets(%dma_start3A_89 : memref<128xi32, #tpu.memory_space<vmem>>) semaphore(%arg16 : memref<!tpu.dma_semaphore, #tpu.memory_space<semaphore_mem>>)
    %dma_start3A_92 = arith.constant 1280 : i32
    %dma_start3A_93 = tpu.memref_slice %arg11[%dma_start3A_92] : memref<3072xi32, #tpu.memory_space<vmem>> -> memref<128xi32, #tpu.memory_space<vmem>>
    %dma_start3A_94 = arith.constant 1280 : i32
    %dma_start3A_95 = tpu.memref_slice %arg10[%dma_start3A_94] : memref<3072xi32, #tpu.memory_space<vmem>> -> memref<128xi32, #tpu.memory_space<vmem>>
    %dma_start3A_96 = arith.constant 0 : i32
    %dma_start3A_97 = tpu.memref_slice %arg2[%dma_start3A_96] : memref<1048576xi32, #tpu.memory_space<hbm>> -> memref<1048576xi32, #tpu.memory_space<hbm>>
    tpu.enqueue_indirect_dma source(%dma_start3A_97 : memref<1048576xi32, #tpu.memory_space<hbm>>) target(%dma_start3A_93 : memref<128xi32, #tpu.memory_space<vmem>>) offsets(%dma_start3A_95 : memref<128xi32, #tpu.memory_space<vmem>>) semaphore(%arg16 : memref<!tpu.dma_semaphore, #tpu.memory_space<semaphore_mem>>)
    %dma_start3A_98 = arith.constant 1408 : i32
    %dma_start3A_99 = tpu.memref_slice %arg11[%dma_start3A_98] : memref<3072xi32, #tpu.memory_space<vmem>> -> memref<128xi32, #tpu.memory_space<vmem>>
    %dma_start3A_100 = arith.constant 1408 : i32
    %dma_start3A_101 = tpu.memref_slice %arg10[%dma_start3A_100] : memref<3072xi32, #tpu.memory_space<vmem>> -> memref<128xi32, #tpu.memory_space<vmem>>
    %dma_start3A_102 = arith.constant 0 : i32
    %dma_start3A_103 = tpu.memref_slice %arg2[%dma_start3A_102] : memref<1048576xi32, #tpu.memory_space<hbm>> -> memref<1048576xi32, #tpu.memory_space<hbm>>
    tpu.enqueue_indirect_dma source(%dma_start3A_103 : memref<1048576xi32, #tpu.memory_space<hbm>>) target(%dma_start3A_99 : memref<128xi32, #tpu.memory_space<vmem>>) offsets(%dma_start3A_101 : memref<128xi32, #tpu.memory_space<vmem>>) semaphore(%arg16 : memref<!tpu.dma_semaphore, #tpu.memory_space<semaphore_mem>>)
    %scan3A_104 = arith.constant 0 : i32
    %scan3A_105 = arith.constant 0 : i32
    %scan3A_106 = arith.constant 32 : i32
    %scan3A_107 = arith.addi %scan3A_105, %scan3A_106 : i32
    %scan3A_108 = arith.constant 1 : i32
    scf.for %scan3A_385 = %scan3A_105 to %scan3A_107 step %scan3A_108  : i32 {
      %mul3A_386 = arith.constant 16 : i32
      %mul3A_387 = arith.muli %scan3A_385, %mul3A_386 : i32
      %get3A = arith.index_cast %mul3A_387 : i32 to index
      %get3A_388 = tpu.vector_load %arg7[%get3A] {strides = array<i32>} : memref<512xi32, #tpu.memory_space<vmem>>, vector<16xi32>,
      %add3A_389 = vector.broadcast %mul3A_387 : i32 to vector<16xi32>
      %add3A_390 = arith.addi %add3A_389, %iota3A : vector<16xi32>
      %mul3A_391 = arith.constant 5 : i32
      %mul3A_392 = vector.broadcast %mul3A_391 : i32 to vector<16xi32>
      %mul3A_393 = arith.muli %add3A_390, %mul3A_392 : vector<16xi32>
      %add3A_394 = arith.constant 2 : i32
      %add3A_395 = vector.broadcast %add3A_394 : i32 to vector<16xi32>
      %add3A_396 = arith.addi %mul3A_393, %add3A_395 : vector<16xi32>
      %gather3A = tpu.vector_load_idx %arg9[%add3A_396] : memref<2560xi32, #tpu.memory_space<vmem>>[vector<16xi32>], vector<16xi32>,
      %shift_left3A = arith.constant 10 : i32
      %shift_left3A_397 = vector.broadcast %shift_left3A : i32 to vector<16xi32>
      %shift_left3A_398 = arith.shli %get3A_388, %shift_left3A_397 : vector<16xi32>
      %or3A = arith.ori %shift_left3A_398, %gather3A : vector<16xi32>
      %add3A_399 = arith.constant 1536 : i32
      %add3A_400 = arith.addi %add3A_399, %mul3A_387 : i32
      %swap3A = arith.index_cast %add3A_400 : i32 to index
      %swap3A_401 = tpu.vector_load %arg10[%swap3A] {strides = array<i32>} : memref<3072xi32, #tpu.memory_space<vmem>>, vector<16xi32>,
      tpu.vector_store %arg10[%swap3A], %or3A {strides = array<i32>} : memref<3072xi32, #tpu.memory_space<vmem>>, vector<16xi32>,
    }
    %scan3A_109 = arith.constant 32 : i32
    %dma_start3A_110 = arith.constant 1536 : i32
    %dma_start3A_111 = tpu.memref_slice %arg11[%dma_start3A_110] : memref<3072xi32, #tpu.memory_space<vmem>> -> memref<128xi32, #tpu.memory_space<vmem>>
    %dma_start3A_112 = arith.constant 1536 : i32
    %dma_start3A_113 = tpu.memref_slice %arg10[%dma_start3A_112] : memref<3072xi32, #tpu.memory_space<vmem>> -> memref<128xi32, #tpu.memory_space<vmem>>
    %dma_start3A_114 = arith.constant 0 : i32
    %dma_start3A_115 = tpu.memref_slice %arg2[%dma_start3A_114] : memref<1048576xi32, #tpu.memory_space<hbm>> -> memref<1048576xi32, #tpu.memory_space<hbm>>
    tpu.enqueue_indirect_dma source(%dma_start3A_115 : memref<1048576xi32, #tpu.memory_space<hbm>>) target(%dma_start3A_111 : memref<128xi32, #tpu.memory_space<vmem>>) offsets(%dma_start3A_113 : memref<128xi32, #tpu.memory_space<vmem>>) semaphore(%arg17 : memref<!tpu.dma_semaphore, #tpu.memory_space<semaphore_mem>>)
    %dma_start3A_116 = arith.constant 1664 : i32
    %dma_start3A_117 = tpu.memref_slice %arg11[%dma_start3A_116] : memref<3072xi32, #tpu.memory_space<vmem>> -> memref<128xi32, #tpu.memory_space<vmem>>
    %dma_start3A_118 = arith.constant 1664 : i32
    %dma_start3A_119 = tpu.memref_slice %arg10[%dma_start3A_118] : memref<3072xi32, #tpu.memory_space<vmem>> -> memref<128xi32, #tpu.memory_space<vmem>>
    %dma_start3A_120 = arith.constant 0 : i32
    %dma_start3A_121 = tpu.memref_slice %arg2[%dma_start3A_120] : memref<1048576xi32, #tpu.memory_space<hbm>> -> memref<1048576xi32, #tpu.memory_space<hbm>>
    tpu.enqueue_indirect_dma source(%dma_start3A_121 : memref<1048576xi32, #tpu.memory_space<hbm>>) target(%dma_start3A_117 : memref<128xi32, #tpu.memory_space<vmem>>) offsets(%dma_start3A_119 : memref<128xi32, #tpu.memory_space<vmem>>) semaphore(%arg17 : memref<!tpu.dma_semaphore, #tpu.memory_space<semaphore_mem>>)
    %dma_start3A_122 = arith.constant 1792 : i32
    %dma_start3A_123 = tpu.memref_slice %arg11[%dma_start3A_122] : memref<3072xi32, #tpu.memory_space<vmem>> -> memref<128xi32, #tpu.memory_space<vmem>>
    %dma_start3A_124 = arith.constant 1792 : i32
    %dma_start3A_125 = tpu.memref_slice %arg10[%dma_start3A_124] : memref<3072xi32, #tpu.memory_space<vmem>> -> memref<128xi32, #tpu.memory_space<vmem>>
    %dma_start3A_126 = arith.constant 0 : i32
    %dma_start3A_127 = tpu.memref_slice %arg2[%dma_start3A_126] : memref<1048576xi32, #tpu.memory_space<hbm>> -> memref<1048576xi32, #tpu.memory_space<hbm>>
    tpu.enqueue_indirect_dma source(%dma_start3A_127 : memref<1048576xi32, #tpu.memory_space<hbm>>) target(%dma_start3A_123 : memref<128xi32, #tpu.memory_space<vmem>>) offsets(%dma_start3A_125 : memref<128xi32, #tpu.memory_space<vmem>>) semaphore(%arg17 : memref<!tpu.dma_semaphore, #tpu.memory_space<semaphore_mem>>)
    %dma_start3A_128 = arith.constant 1920 : i32
    %dma_start3A_129 = tpu.memref_slice %arg11[%dma_start3A_128] : memref<3072xi32, #tpu.memory_space<vmem>> -> memref<128xi32, #tpu.memory_space<vmem>>
    %dma_start3A_130 = arith.constant 1920 : i32
    %dma_start3A_131 = tpu.memref_slice %arg10[%dma_start3A_130] : memref<3072xi32, #tpu.memory_space<vmem>> -> memref<128xi32, #tpu.memory_space<vmem>>
    %dma_start3A_132 = arith.constant 0 : i32
    %dma_start3A_133 = tpu.memref_slice %arg2[%dma_start3A_132] : memref<1048576xi32, #tpu.memory_space<hbm>> -> memref<1048576xi32, #tpu.memory_space<hbm>>
    tpu.enqueue_indirect_dma source(%dma_start3A_133 : memref<1048576xi32, #tpu.memory_space<hbm>>) target(%dma_start3A_129 : memref<128xi32, #tpu.memory_space<vmem>>) offsets(%dma_start3A_131 : memref<128xi32, #tpu.memory_space<vmem>>) semaphore(%arg17 : memref<!tpu.dma_semaphore, #tpu.memory_space<semaphore_mem>>)
    %scan3A_134 = arith.constant 0 : i32
    %scan3A_135 = arith.constant 0 : i32
    %scan3A_136 = arith.constant 32 : i32
    %scan3A_137 = arith.addi %scan3A_135, %scan3A_136 : i32
    %scan3A_138 = arith.constant 1 : i32
    scf.for %scan3A_385 = %scan3A_135 to %scan3A_137 step %scan3A_138  : i32 {
      %mul3A_386 = arith.constant 16 : i32
      %mul3A_387 = arith.muli %scan3A_385, %mul3A_386 : i32
      %get3A = arith.index_cast %mul3A_387 : i32 to index
      %get3A_388 = tpu.vector_load %arg7[%get3A] {strides = array<i32>} : memref<512xi32, #tpu.memory_space<vmem>>, vector<16xi32>,
      %add3A_389 = vector.broadcast %mul3A_387 : i32 to vector<16xi32>
      %add3A_390 = arith.addi %add3A_389, %iota3A : vector<16xi32>
      %mul3A_391 = arith.constant 5 : i32
      %mul3A_392 = vector.broadcast %mul3A_391 : i32 to vector<16xi32>
      %mul3A_393 = arith.muli %add3A_390, %mul3A_392 : vector<16xi32>
      %add3A_394 = arith.constant 3 : i32
      %add3A_395 = vector.broadcast %add3A_394 : i32 to vector<16xi32>
      %add3A_396 = arith.addi %mul3A_393, %add3A_395 : vector<16xi32>
      %gather3A = tpu.vector_load_idx %arg9[%add3A_396] : memref<2560xi32, #tpu.memory_space<vmem>>[vector<16xi32>], vector<16xi32>,
      %shift_left3A = arith.constant 10 : i32
      %shift_left3A_397 = vector.broadcast %shift_left3A : i32 to vector<16xi32>
      %shift_left3A_398 = arith.shli %get3A_388, %shift_left3A_397 : vector<16xi32>
      %or3A = arith.ori %shift_left3A_398, %gather3A : vector<16xi32>
      %add3A_399 = arith.constant 2048 : i32
      %add3A_400 = arith.addi %add3A_399, %mul3A_387 : i32
      %swap3A = arith.index_cast %add3A_400 : i32 to index
      %swap3A_401 = tpu.vector_load %arg10[%swap3A] {strides = array<i32>} : memref<3072xi32, #tpu.memory_space<vmem>>, vector<16xi32>,
      tpu.vector_store %arg10[%swap3A], %or3A {strides = array<i32>} : memref<3072xi32, #tpu.memory_space<vmem>>, vector<16xi32>,
    }
    %scan3A_139 = arith.constant 32 : i32
    %dma_start3A_140 = arith.constant 2048 : i32
    %dma_start3A_141 = tpu.memref_slice %arg11[%dma_start3A_140] : memref<3072xi32, #tpu.memory_space<vmem>> -> memref<128xi32, #tpu.memory_space<vmem>>
    %dma_start3A_142 = arith.constant 2048 : i32
    %dma_start3A_143 = tpu.memref_slice %arg10[%dma_start3A_142] : memref<3072xi32, #tpu.memory_space<vmem>> -> memref<128xi32, #tpu.memory_space<vmem>>
    %dma_start3A_144 = arith.constant 0 : i32
    %dma_start3A_145 = tpu.memref_slice %arg2[%dma_start3A_144] : memref<1048576xi32, #tpu.memory_space<hbm>> -> memref<1048576xi32, #tpu.memory_space<hbm>>
    tpu.enqueue_indirect_dma source(%dma_start3A_145 : memref<1048576xi32, #tpu.memory_space<hbm>>) target(%dma_start3A_141 : memref<128xi32, #tpu.memory_space<vmem>>) offsets(%dma_start3A_143 : memref<128xi32, #tpu.memory_space<vmem>>) semaphore(%arg18 : memref<!tpu.dma_semaphore, #tpu.memory_space<semaphore_mem>>)
    %dma_start3A_146 = arith.constant 2176 : i32
    %dma_start3A_147 = tpu.memref_slice %arg11[%dma_start3A_146] : memref<3072xi32, #tpu.memory_space<vmem>> -> memref<128xi32, #tpu.memory_space<vmem>>
    %dma_start3A_148 = arith.constant 2176 : i32
    %dma_start3A_149 = tpu.memref_slice %arg10[%dma_start3A_148] : memref<3072xi32, #tpu.memory_space<vmem>> -> memref<128xi32, #tpu.memory_space<vmem>>
    %dma_start3A_150 = arith.constant 0 : i32
    %dma_start3A_151 = tpu.memref_slice %arg2[%dma_start3A_150] : memref<1048576xi32, #tpu.memory_space<hbm>> -> memref<1048576xi32, #tpu.memory_space<hbm>>
    tpu.enqueue_indirect_dma source(%dma_start3A_151 : memref<1048576xi32, #tpu.memory_space<hbm>>) target(%dma_start3A_147 : memref<128xi32, #tpu.memory_space<vmem>>) offsets(%dma_start3A_149 : memref<128xi32, #tpu.memory_space<vmem>>) semaphore(%arg18 : memref<!tpu.dma_semaphore, #tpu.memory_space<semaphore_mem>>)
    %dma_start3A_152 = arith.constant 2304 : i32
    %dma_start3A_153 = tpu.memref_slice %arg11[%dma_start3A_152] : memref<3072xi32, #tpu.memory_space<vmem>> -> memref<128xi32, #tpu.memory_space<vmem>>
    %dma_start3A_154 = arith.constant 2304 : i32
    %dma_start3A_155 = tpu.memref_slice %arg10[%dma_start3A_154] : memref<3072xi32, #tpu.memory_space<vmem>> -> memref<128xi32, #tpu.memory_space<vmem>>
    %dma_start3A_156 = arith.constant 0 : i32
    %dma_start3A_157 = tpu.memref_slice %arg2[%dma_start3A_156] : memref<1048576xi32, #tpu.memory_space<hbm>> -> memref<1048576xi32, #tpu.memory_space<hbm>>
    tpu.enqueue_indirect_dma source(%dma_start3A_157 : memref<1048576xi32, #tpu.memory_space<hbm>>) target(%dma_start3A_153 : memref<128xi32, #tpu.memory_space<vmem>>) offsets(%dma_start3A_155 : memref<128xi32, #tpu.memory_space<vmem>>) semaphore(%arg18 : memref<!tpu.dma_semaphore, #tpu.memory_space<semaphore_mem>>)
    %dma_start3A_158 = arith.constant 2432 : i32
    %dma_start3A_159 = tpu.memref_slice %arg11[%dma_start3A_158] : memref<3072xi32, #tpu.memory_space<vmem>> -> memref<128xi32, #tpu.memory_space<vmem>>
    %dma_start3A_160 = arith.constant 2432 : i32
    %dma_start3A_161 = tpu.memref_slice %arg10[%dma_start3A_160] : memref<3072xi32, #tpu.memory_space<vmem>> -> memref<128xi32, #tpu.memory_space<vmem>>
    %dma_start3A_162 = arith.constant 0 : i32
    %dma_start3A_163 = tpu.memref_slice %arg2[%dma_start3A_162] : memref<1048576xi32, #tpu.memory_space<hbm>> -> memref<1048576xi32, #tpu.memory_space<hbm>>
    tpu.enqueue_indirect_dma source(%dma_start3A_163 : memref<1048576xi32, #tpu.memory_space<hbm>>) target(%dma_start3A_159 : memref<128xi32, #tpu.memory_space<vmem>>) offsets(%dma_start3A_161 : memref<128xi32, #tpu.memory_space<vmem>>) semaphore(%arg18 : memref<!tpu.dma_semaphore, #tpu.memory_space<semaphore_mem>>)
    %scan3A_164 = arith.constant 0 : i32
    %scan3A_165 = arith.constant 0 : i32
    %scan3A_166 = arith.constant 32 : i32
    %scan3A_167 = arith.addi %scan3A_165, %scan3A_166 : i32
    %scan3A_168 = arith.constant 1 : i32
    scf.for %scan3A_385 = %scan3A_165 to %scan3A_167 step %scan3A_168  : i32 {
      %mul3A_386 = arith.constant 16 : i32
      %mul3A_387 = arith.muli %scan3A_385, %mul3A_386 : i32
      %get3A = arith.index_cast %mul3A_387 : i32 to index
      %get3A_388 = tpu.vector_load %arg7[%get3A] {strides = array<i32>} : memref<512xi32, #tpu.memory_space<vmem>>, vector<16xi32>,
      %add3A_389 = vector.broadcast %mul3A_387 : i32 to vector<16xi32>
      %add3A_390 = arith.addi %add3A_389, %iota3A : vector<16xi32>
      %mul3A_391 = arith.constant 5 : i32
      %mul3A_392 = vector.broadcast %mul3A_391 : i32 to vector<16xi32>
      %mul3A_393 = arith.muli %add3A_390, %mul3A_392 : vector<16xi32>
      %add3A_394 = arith.constant 4 : i32
      %add3A_395 = vector.broadcast %add3A_394 : i32 to vector<16xi32>
      %add3A_396 = arith.addi %mul3A_393, %add3A_395 : vector<16xi32>
      %gather3A = tpu.vector_load_idx %arg9[%add3A_396] : memref<2560xi32, #tpu.memory_space<vmem>>[vector<16xi32>], vector<16xi32>,
      %shift_left3A = arith.constant 10 : i32
      %shift_left3A_397 = vector.broadcast %shift_left3A : i32 to vector<16xi32>
      %shift_left3A_398 = arith.shli %get3A_388, %shift_left3A_397 : vector<16xi32>
      %or3A = arith.ori %shift_left3A_398, %gather3A : vector<16xi32>
      %add3A_399 = arith.constant 2560 : i32
      %add3A_400 = arith.addi %add3A_399, %mul3A_387 : i32
      %swap3A = arith.index_cast %add3A_400 : i32 to index
      %swap3A_401 = tpu.vector_load %arg10[%swap3A] {strides = array<i32>} : memref<3072xi32, #tpu.memory_space<vmem>>, vector<16xi32>,
      tpu.vector_store %arg10[%swap3A], %or3A {strides = array<i32>} : memref<3072xi32, #tpu.memory_space<vmem>>, vector<16xi32>,
    }
    %scan3A_169 = arith.constant 32 : i32
    %dma_start3A_170 = arith.constant 2560 : i32
    %dma_start3A_171 = tpu.memref_slice %arg11[%dma_start3A_170] : memref<3072xi32, #tpu.memory_space<vmem>> -> memref<128xi32, #tpu.memory_space<vmem>>
    %dma_start3A_172 = arith.constant 2560 : i32
    %dma_start3A_173 = tpu.memref_slice %arg10[%dma_start3A_172] : memref<3072xi32, #tpu.memory_space<vmem>> -> memref<128xi32, #tpu.memory_space<vmem>>
    %dma_start3A_174 = arith.constant 0 : i32
    %dma_start3A_175 = tpu.memref_slice %arg2[%dma_start3A_174] : memref<1048576xi32, #tpu.memory_space<hbm>> -> memref<1048576xi32, #tpu.memory_space<hbm>>
    tpu.enqueue_indirect_dma source(%dma_start3A_175 : memref<1048576xi32, #tpu.memory_space<hbm>>) target(%dma_start3A_171 : memref<128xi32, #tpu.memory_space<vmem>>) offsets(%dma_start3A_173 : memref<128xi32, #tpu.memory_space<vmem>>) semaphore(%arg19 : memref<!tpu.dma_semaphore, #tpu.memory_space<semaphore_mem>>)
    %dma_start3A_176 = arith.constant 2688 : i32
    %dma_start3A_177 = tpu.memref_slice %arg11[%dma_start3A_176] : memref<3072xi32, #tpu.memory_space<vmem>> -> memref<128xi32, #tpu.memory_space<vmem>>
    %dma_start3A_178 = arith.constant 2688 : i32
    %dma_start3A_179 = tpu.memref_slice %arg10[%dma_start3A_178] : memref<3072xi32, #tpu.memory_space<vmem>> -> memref<128xi32, #tpu.memory_space<vmem>>
    %dma_start3A_180 = arith.constant 0 : i32
    %dma_start3A_181 = tpu.memref_slice %arg2[%dma_start3A_180] : memref<1048576xi32, #tpu.memory_space<hbm>> -> memref<1048576xi32, #tpu.memory_space<hbm>>
    tpu.enqueue_indirect_dma source(%dma_start3A_181 : memref<1048576xi32, #tpu.memory_space<hbm>>) target(%dma_start3A_177 : memref<128xi32, #tpu.memory_space<vmem>>) offsets(%dma_start3A_179 : memref<128xi32, #tpu.memory_space<vmem>>) semaphore(%arg19 : memref<!tpu.dma_semaphore, #tpu.memory_space<semaphore_mem>>)
    %dma_start3A_182 = arith.constant 2816 : i32
    %dma_start3A_183 = tpu.memref_slice %arg11[%dma_start3A_182] : memref<3072xi32, #tpu.memory_space<vmem>> -> memref<128xi32, #tpu.memory_space<vmem>>
    %dma_start3A_184 = arith.constant 2816 : i32
    %dma_start3A_185 = tpu.memref_slice %arg10[%dma_start3A_184] : memref<3072xi32, #tpu.memory_space<vmem>> -> memref<128xi32, #tpu.memory_space<vmem>>
    %dma_start3A_186 = arith.constant 0 : i32
    %dma_start3A_187 = tpu.memref_slice %arg2[%dma_start3A_186] : memref<1048576xi32, #tpu.memory_space<hbm>> -> memref<1048576xi32, #tpu.memory_space<hbm>>
    tpu.enqueue_indirect_dma source(%dma_start3A_187 : memref<1048576xi32, #tpu.memory_space<hbm>>) target(%dma_start3A_183 : memref<128xi32, #tpu.memory_space<vmem>>) offsets(%dma_start3A_185 : memref<128xi32, #tpu.memory_space<vmem>>) semaphore(%arg19 : memref<!tpu.dma_semaphore, #tpu.memory_space<semaphore_mem>>)
    %dma_start3A_188 = arith.constant 2944 : i32
    %dma_start3A_189 = tpu.memref_slice %arg11[%dma_start3A_188] : memref<3072xi32, #tpu.memory_space<vmem>> -> memref<128xi32, #tpu.memory_space<vmem>>
    %dma_start3A_190 = arith.constant 2944 : i32
    %dma_start3A_191 = tpu.memref_slice %arg10[%dma_start3A_190] : memref<3072xi32, #tpu.memory_space<vmem>> -> memref<128xi32, #tpu.memory_space<vmem>>
    %dma_start3A_192 = arith.constant 0 : i32
    %dma_start3A_193 = tpu.memref_slice %arg2[%dma_start3A_192] : memref<1048576xi32, #tpu.memory_space<hbm>> -> memref<1048576xi32, #tpu.memory_space<hbm>>
    tpu.enqueue_indirect_dma source(%dma_start3A_193 : memref<1048576xi32, #tpu.memory_space<hbm>>) target(%dma_start3A_189 : memref<128xi32, #tpu.memory_space<vmem>>) offsets(%dma_start3A_191 : memref<128xi32, #tpu.memory_space<vmem>>) semaphore(%arg19 : memref<!tpu.dma_semaphore, #tpu.memory_space<semaphore_mem>>)
    %dma_wait3A_194 = arith.constant 0 : i32
    %dma_wait3A_195 = tpu.memref_slice %arg11[%dma_wait3A_194] : memref<3072xi32, #tpu.memory_space<vmem>> -> memref<128xi32, #tpu.memory_space<vmem>>
    %dma_wait3A_196 = arith.constant 0 : i32
    %dma_wait3A_197 = tpu.memref_slice %arg10[%dma_wait3A_196] : memref<3072xi32, #tpu.memory_space<vmem>> -> memref<128xi32, #tpu.memory_space<vmem>>
    %dma_wait3A_198 = arith.constant 0 : i32
    %dma_wait3A_199 = tpu.memref_slice %arg2[%dma_wait3A_198] : memref<1048576xi32, #tpu.memory_space<hbm>> -> memref<1048576xi32, #tpu.memory_space<hbm>>
    tpu.wait_indirect_dma semaphore(%arg14 : memref<!tpu.dma_semaphore, #tpu.memory_space<semaphore_mem>>) src(%dma_wait3A_199 : memref<1048576xi32, #tpu.memory_space<hbm>>) dst(%dma_wait3A_195 : memref<128xi32, #tpu.memory_space<vmem>>)
    %dma_wait3A_200 = arith.constant 128 : i32
    %dma_wait3A_201 = tpu.memref_slice %arg11[%dma_wait3A_200] : memref<3072xi32, #tpu.memory_space<vmem>> -> memref<128xi32, #tpu.memory_space<vmem>>
    %dma_wait3A_202 = arith.constant 128 : i32
    %dma_wait3A_203 = tpu.memref_slice %arg10[%dma_wait3A_202] : memref<3072xi32, #tpu.memory_space<vmem>> -> memref<128xi32, #tpu.memory_space<vmem>>
    %dma_wait3A_204 = arith.constant 0 : i32
    %dma_wait3A_205 = tpu.memref_slice %arg2[%dma_wait3A_204] : memref<1048576xi32, #tpu.memory_space<hbm>> -> memref<1048576xi32, #tpu.memory_space<hbm>>
    tpu.wait_indirect_dma semaphore(%arg14 : memref<!tpu.dma_semaphore, #tpu.memory_space<semaphore_mem>>) src(%dma_wait3A_205 : memref<1048576xi32, #tpu.memory_space<hbm>>) dst(%dma_wait3A_201 : memref<128xi32, #tpu.memory_space<vmem>>)
    %dma_wait3A_206 = arith.constant 256 : i32
    %dma_wait3A_207 = tpu.memref_slice %arg11[%dma_wait3A_206] : memref<3072xi32, #tpu.memory_space<vmem>> -> memref<128xi32, #tpu.memory_space<vmem>>
    %dma_wait3A_208 = arith.constant 256 : i32
    %dma_wait3A_209 = tpu.memref_slice %arg10[%dma_wait3A_208] : memref<3072xi32, #tpu.memory_space<vmem>> -> memref<128xi32, #tpu.memory_space<vmem>>
    %dma_wait3A_210 = arith.constant 0 : i32
    %dma_wait3A_211 = tpu.memref_slice %arg2[%dma_wait3A_210] : memref<1048576xi32, #tpu.memory_space<hbm>> -> memref<1048576xi32, #tpu.memory_space<hbm>>
    tpu.wait_indirect_dma semaphore(%arg14 : memref<!tpu.dma_semaphore, #tpu.memory_space<semaphore_mem>>) src(%dma_wait3A_211 : memref<1048576xi32, #tpu.memory_space<hbm>>) dst(%dma_wait3A_207 : memref<128xi32, #tpu.memory_space<vmem>>)
    %dma_wait3A_212 = arith.constant 384 : i32
    %dma_wait3A_213 = tpu.memref_slice %arg11[%dma_wait3A_212] : memref<3072xi32, #tpu.memory_space<vmem>> -> memref<128xi32, #tpu.memory_space<vmem>>
    %dma_wait3A_214 = arith.constant 384 : i32
    %dma_wait3A_215 = tpu.memref_slice %arg10[%dma_wait3A_214] : memref<3072xi32, #tpu.memory_space<vmem>> -> memref<128xi32, #tpu.memory_space<vmem>>
    %dma_wait3A_216 = arith.constant 0 : i32
    %dma_wait3A_217 = tpu.memref_slice %arg2[%dma_wait3A_216] : memref<1048576xi32, #tpu.memory_space<hbm>> -> memref<1048576xi32, #tpu.memory_space<hbm>>
    tpu.wait_indirect_dma semaphore(%arg14 : memref<!tpu.dma_semaphore, #tpu.memory_space<semaphore_mem>>) src(%dma_wait3A_217 : memref<1048576xi32, #tpu.memory_space<hbm>>) dst(%dma_wait3A_213 : memref<128xi32, #tpu.memory_space<vmem>>)
    %broadcast_in_dim3A = arith.constant 0 : i32
    %broadcast_in_dim3A_218 = vector.broadcast %broadcast_in_dim3A : i32 to vector<16xi32>
    %scan3A_219 = arith.constant 0 : i32
    %scan3A_220 = arith.constant 0 : i32
    %scan3A_221 = arith.constant 32 : i32
    %scan3A_222 = arith.addi %scan3A_220, %scan3A_221 : i32
    %scan3A_223 = arith.constant 1 : i32
    scf.for %scan3A_385 = %scan3A_220 to %scan3A_222 step %scan3A_223  : i32 {
      %mul3A_386 = arith.constant 16 : i32
      %mul3A_387 = arith.muli %scan3A_385, %mul3A_386 : i32
      %add3A_388 = arith.constant 0 : i32
      %add3A_389 = arith.addi %add3A_388, %mul3A_387 : i32
      %get3A = arith.index_cast %add3A_389 : i32 to index
      %get3A_390 = tpu.vector_load %arg11[%get3A] {strides = array<i32>} : memref<3072xi32, #tpu.memory_space<vmem>>, vector<16xi32>,
      %shift_left3A = arith.constant 16 : i32
      %shift_left3A_391 = vector.broadcast %shift_left3A : i32 to vector<16xi32>
      %shift_left3A_392 = arith.shli %get3A_390, %shift_left3A_391 : vector<16xi32>
      %bitcast3A = vector.bitcast %shift_left3A_392 : vector<16xi32> to vector<16xf32>
      %add3A_393 = vector.broadcast %mul3A_387 : i32 to vector<16xi32>
      %add3A_394 = arith.addi %add3A_393, %iota3A : vector<16xi32>
      tpu.vector_store_idx %arg12[%add3A_394, %broadcast_in_dim3A_218], %bitcast3A : memref<512x6xf32, #tpu.memory_space<vmem>>[vector<16xi32>, vector<16xi32>], vector<16xf32>,
    }
    %scan3A_224 = arith.constant 32 : i32
    %dma_wait3A_225 = arith.constant 512 : i32
    %dma_wait3A_226 = tpu.memref_slice %arg11[%dma_wait3A_225] : memref<3072xi32, #tpu.memory_space<vmem>> -> memref<128xi32, #tpu.memory_space<vmem>>
    %dma_wait3A_227 = arith.constant 512 : i32
    %dma_wait3A_228 = tpu.memref_slice %arg10[%dma_wait3A_227] : memref<3072xi32, #tpu.memory_space<vmem>> -> memref<128xi32, #tpu.memory_space<vmem>>
    %dma_wait3A_229 = arith.constant 0 : i32
    %dma_wait3A_230 = tpu.memref_slice %arg2[%dma_wait3A_229] : memref<1048576xi32, #tpu.memory_space<hbm>> -> memref<1048576xi32, #tpu.memory_space<hbm>>
    tpu.wait_indirect_dma semaphore(%arg15 : memref<!tpu.dma_semaphore, #tpu.memory_space<semaphore_mem>>) src(%dma_wait3A_230 : memref<1048576xi32, #tpu.memory_space<hbm>>) dst(%dma_wait3A_226 : memref<128xi32, #tpu.memory_space<vmem>>)
    %dma_wait3A_231 = arith.constant 640 : i32
    %dma_wait3A_232 = tpu.memref_slice %arg11[%dma_wait3A_231] : memref<3072xi32, #tpu.memory_space<vmem>> -> memref<128xi32, #tpu.memory_space<vmem>>
    %dma_wait3A_233 = arith.constant 640 : i32
    %dma_wait3A_234 = tpu.memref_slice %arg10[%dma_wait3A_233] : memref<3072xi32, #tpu.memory_space<vmem>> -> memref<128xi32, #tpu.memory_space<vmem>>
    %dma_wait3A_235 = arith.constant 0 : i32
    %dma_wait3A_236 = tpu.memref_slice %arg2[%dma_wait3A_235] : memref<1048576xi32, #tpu.memory_space<hbm>> -> memref<1048576xi32, #tpu.memory_space<hbm>>
    tpu.wait_indirect_dma semaphore(%arg15 : memref<!tpu.dma_semaphore, #tpu.memory_space<semaphore_mem>>) src(%dma_wait3A_236 : memref<1048576xi32, #tpu.memory_space<hbm>>) dst(%dma_wait3A_232 : memref<128xi32, #tpu.memory_space<vmem>>)
    %dma_wait3A_237 = arith.constant 768 : i32
    %dma_wait3A_238 = tpu.memref_slice %arg11[%dma_wait3A_237] : memref<3072xi32, #tpu.memory_space<vmem>> -> memref<128xi32, #tpu.memory_space<vmem>>
    %dma_wait3A_239 = arith.constant 768 : i32
    %dma_wait3A_240 = tpu.memref_slice %arg10[%dma_wait3A_239] : memref<3072xi32, #tpu.memory_space<vmem>> -> memref<128xi32, #tpu.memory_space<vmem>>
    %dma_wait3A_241 = arith.constant 0 : i32
    %dma_wait3A_242 = tpu.memref_slice %arg2[%dma_wait3A_241] : memref<1048576xi32, #tpu.memory_space<hbm>> -> memref<1048576xi32, #tpu.memory_space<hbm>>
    tpu.wait_indirect_dma semaphore(%arg15 : memref<!tpu.dma_semaphore, #tpu.memory_space<semaphore_mem>>) src(%dma_wait3A_242 : memref<1048576xi32, #tpu.memory_space<hbm>>) dst(%dma_wait3A_238 : memref<128xi32, #tpu.memory_space<vmem>>)
    %dma_wait3A_243 = arith.constant 896 : i32
    %dma_wait3A_244 = tpu.memref_slice %arg11[%dma_wait3A_243] : memref<3072xi32, #tpu.memory_space<vmem>> -> memref<128xi32, #tpu.memory_space<vmem>>
    %dma_wait3A_245 = arith.constant 896 : i32
    %dma_wait3A_246 = tpu.memref_slice %arg10[%dma_wait3A_245] : memref<3072xi32, #tpu.memory_space<vmem>> -> memref<128xi32, #tpu.memory_space<vmem>>
    %dma_wait3A_247 = arith.constant 0 : i32
    %dma_wait3A_248 = tpu.memref_slice %arg2[%dma_wait3A_247] : memref<1048576xi32, #tpu.memory_space<hbm>> -> memref<1048576xi32, #tpu.memory_space<hbm>>
    tpu.wait_indirect_dma semaphore(%arg15 : memref<!tpu.dma_semaphore, #tpu.memory_space<semaphore_mem>>) src(%dma_wait3A_248 : memref<1048576xi32, #tpu.memory_space<hbm>>) dst(%dma_wait3A_244 : memref<128xi32, #tpu.memory_space<vmem>>)
    %broadcast_in_dim3A_249 = arith.constant 1 : i32
    %broadcast_in_dim3A_250 = vector.broadcast %broadcast_in_dim3A_249 : i32 to vector<16xi32>
    %scan3A_251 = arith.constant 0 : i32
    %scan3A_252 = arith.constant 0 : i32
    %scan3A_253 = arith.constant 32 : i32
    %scan3A_254 = arith.addi %scan3A_252, %scan3A_253 : i32
    %scan3A_255 = arith.constant 1 : i32
    scf.for %scan3A_385 = %scan3A_252 to %scan3A_254 step %scan3A_255  : i32 {
      %mul3A_386 = arith.constant 16 : i32
      %mul3A_387 = arith.muli %scan3A_385, %mul3A_386 : i32
      %add3A_388 = arith.constant 512 : i32
      %add3A_389 = arith.addi %add3A_388, %mul3A_387 : i32
      %get3A = arith.index_cast %add3A_389 : i32 to index
      %get3A_390 = tpu.vector_load %arg11[%get3A] {strides = array<i32>} : memref<3072xi32, #tpu.memory_space<vmem>>, vector<16xi32>,
      %and3A = arith.constant -65536 : i32
      %and3A_391 = vector.broadcast %and3A : i32 to vector<16xi32>
      %and3A_392 = arith.andi %get3A_390, %and3A_391 : vector<16xi32>
      %bitcast3A = vector.bitcast %and3A_392 : vector<16xi32> to vector<16xf32>
      %add3A_393 = vector.broadcast %mul3A_387 : i32 to vector<16xi32>
      %add3A_394 = arith.addi %add3A_393, %iota3A : vector<16xi32>
      tpu.vector_store_idx %arg12[%add3A_394, %broadcast_in_dim3A_250], %bitcast3A : memref<512x6xf32, #tpu.memory_space<vmem>>[vector<16xi32>, vector<16xi32>], vector<16xf32>,
    }
    %scan3A_256 = arith.constant 32 : i32
    %dma_wait3A_257 = arith.constant 1024 : i32
    %dma_wait3A_258 = tpu.memref_slice %arg11[%dma_wait3A_257] : memref<3072xi32, #tpu.memory_space<vmem>> -> memref<128xi32, #tpu.memory_space<vmem>>
    %dma_wait3A_259 = arith.constant 1024 : i32
    %dma_wait3A_260 = tpu.memref_slice %arg10[%dma_wait3A_259] : memref<3072xi32, #tpu.memory_space<vmem>> -> memref<128xi32, #tpu.memory_space<vmem>>
    %dma_wait3A_261 = arith.constant 0 : i32
    %dma_wait3A_262 = tpu.memref_slice %arg2[%dma_wait3A_261] : memref<1048576xi32, #tpu.memory_space<hbm>> -> memref<1048576xi32, #tpu.memory_space<hbm>>
    tpu.wait_indirect_dma semaphore(%arg16 : memref<!tpu.dma_semaphore, #tpu.memory_space<semaphore_mem>>) src(%dma_wait3A_262 : memref<1048576xi32, #tpu.memory_space<hbm>>) dst(%dma_wait3A_258 : memref<128xi32, #tpu.memory_space<vmem>>)
    %dma_wait3A_263 = arith.constant 1152 : i32
    %dma_wait3A_264 = tpu.memref_slice %arg11[%dma_wait3A_263] : memref<3072xi32, #tpu.memory_space<vmem>> -> memref<128xi32, #tpu.memory_space<vmem>>
    %dma_wait3A_265 = arith.constant 1152 : i32
    %dma_wait3A_266 = tpu.memref_slice %arg10[%dma_wait3A_265] : memref<3072xi32, #tpu.memory_space<vmem>> -> memref<128xi32, #tpu.memory_space<vmem>>
    %dma_wait3A_267 = arith.constant 0 : i32
    %dma_wait3A_268 = tpu.memref_slice %arg2[%dma_wait3A_267] : memref<1048576xi32, #tpu.memory_space<hbm>> -> memref<1048576xi32, #tpu.memory_space<hbm>>
    tpu.wait_indirect_dma semaphore(%arg16 : memref<!tpu.dma_semaphore, #tpu.memory_space<semaphore_mem>>) src(%dma_wait3A_268 : memref<1048576xi32, #tpu.memory_space<hbm>>) dst(%dma_wait3A_264 : memref<128xi32, #tpu.memory_space<vmem>>)
    %dma_wait3A_269 = arith.constant 1280 : i32
    %dma_wait3A_270 = tpu.memref_slice %arg11[%dma_wait3A_269] : memref<3072xi32, #tpu.memory_space<vmem>> -> memref<128xi32, #tpu.memory_space<vmem>>
    %dma_wait3A_271 = arith.constant 1280 : i32
    %dma_wait3A_272 = tpu.memref_slice %arg10[%dma_wait3A_271] : memref<3072xi32, #tpu.memory_space<vmem>> -> memref<128xi32, #tpu.memory_space<vmem>>
    %dma_wait3A_273 = arith.constant 0 : i32
    %dma_wait3A_274 = tpu.memref_slice %arg2[%dma_wait3A_273] : memref<1048576xi32, #tpu.memory_space<hbm>> -> memref<1048576xi32, #tpu.memory_space<hbm>>
    tpu.wait_indirect_dma semaphore(%arg16 : memref<!tpu.dma_semaphore, #tpu.memory_space<semaphore_mem>>) src(%dma_wait3A_274 : memref<1048576xi32, #tpu.memory_space<hbm>>) dst(%dma_wait3A_270 : memref<128xi32, #tpu.memory_space<vmem>>)
    %dma_wait3A_275 = arith.constant 1408 : i32
    %dma_wait3A_276 = tpu.memref_slice %arg11[%dma_wait3A_275] : memref<3072xi32, #tpu.memory_space<vmem>> -> memref<128xi32, #tpu.memory_space<vmem>>
    %dma_wait3A_277 = arith.constant 1408 : i32
    %dma_wait3A_278 = tpu.memref_slice %arg10[%dma_wait3A_277] : memref<3072xi32, #tpu.memory_space<vmem>> -> memref<128xi32, #tpu.memory_space<vmem>>
    %dma_wait3A_279 = arith.constant 0 : i32
    %dma_wait3A_280 = tpu.memref_slice %arg2[%dma_wait3A_279] : memref<1048576xi32, #tpu.memory_space<hbm>> -> memref<1048576xi32, #tpu.memory_space<hbm>>
    tpu.wait_indirect_dma semaphore(%arg16 : memref<!tpu.dma_semaphore, #tpu.memory_space<semaphore_mem>>) src(%dma_wait3A_280 : memref<1048576xi32, #tpu.memory_space<hbm>>) dst(%dma_wait3A_276 : memref<128xi32, #tpu.memory_space<vmem>>)
    %broadcast_in_dim3A_281 = arith.constant 2 : i32
    %broadcast_in_dim3A_282 = vector.broadcast %broadcast_in_dim3A_281 : i32 to vector<16xi32>
    %scan3A_283 = arith.constant 0 : i32
    %scan3A_284 = arith.constant 0 : i32
    %scan3A_285 = arith.constant 32 : i32
    %scan3A_286 = arith.addi %scan3A_284, %scan3A_285 : i32
    %scan3A_287 = arith.constant 1 : i32
    scf.for %scan3A_385 = %scan3A_284 to %scan3A_286 step %scan3A_287  : i32 {
      %mul3A_386 = arith.constant 16 : i32
      %mul3A_387 = arith.muli %scan3A_385, %mul3A_386 : i32
      %add3A_388 = arith.constant 1024 : i32
      %add3A_389 = arith.addi %add3A_388, %mul3A_387 : i32
      %get3A = arith.index_cast %add3A_389 : i32 to index
      %get3A_390 = tpu.vector_load %arg11[%get3A] {strides = array<i32>} : memref<3072xi32, #tpu.memory_space<vmem>>, vector<16xi32>,
      %and3A = arith.constant -65536 : i32
      %and3A_391 = vector.broadcast %and3A : i32 to vector<16xi32>
      %and3A_392 = arith.andi %get3A_390, %and3A_391 : vector<16xi32>
      %bitcast3A = vector.bitcast %and3A_392 : vector<16xi32> to vector<16xf32>
      %add3A_393 = vector.broadcast %mul3A_387 : i32 to vector<16xi32>
      %add3A_394 = arith.addi %add3A_393, %iota3A : vector<16xi32>
      tpu.vector_store_idx %arg12[%add3A_394, %broadcast_in_dim3A_282], %bitcast3A : memref<512x6xf32, #tpu.memory_space<vmem>>[vector<16xi32>, vector<16xi32>], vector<16xf32>,
    }
    %scan3A_288 = arith.constant 32 : i32
    %dma_wait3A_289 = arith.constant 1536 : i32
    %dma_wait3A_290 = tpu.memref_slice %arg11[%dma_wait3A_289] : memref<3072xi32, #tpu.memory_space<vmem>> -> memref<128xi32, #tpu.memory_space<vmem>>
    %dma_wait3A_291 = arith.constant 1536 : i32
    %dma_wait3A_292 = tpu.memref_slice %arg10[%dma_wait3A_291] : memref<3072xi32, #tpu.memory_space<vmem>> -> memref<128xi32, #tpu.memory_space<vmem>>
    %dma_wait3A_293 = arith.constant 0 : i32
    %dma_wait3A_294 = tpu.memref_slice %arg2[%dma_wait3A_293] : memref<1048576xi32, #tpu.memory_space<hbm>> -> memref<1048576xi32, #tpu.memory_space<hbm>>
    tpu.wait_indirect_dma semaphore(%arg17 : memref<!tpu.dma_semaphore, #tpu.memory_space<semaphore_mem>>) src(%dma_wait3A_294 : memref<1048576xi32, #tpu.memory_space<hbm>>) dst(%dma_wait3A_290 : memref<128xi32, #tpu.memory_space<vmem>>)
    %dma_wait3A_295 = arith.constant 1664 : i32
    %dma_wait3A_296 = tpu.memref_slice %arg11[%dma_wait3A_295] : memref<3072xi32, #tpu.memory_space<vmem>> -> memref<128xi32, #tpu.memory_space<vmem>>
    %dma_wait3A_297 = arith.constant 1664 : i32
    %dma_wait3A_298 = tpu.memref_slice %arg10[%dma_wait3A_297] : memref<3072xi32, #tpu.memory_space<vmem>> -> memref<128xi32, #tpu.memory_space<vmem>>
    %dma_wait3A_299 = arith.constant 0 : i32
    %dma_wait3A_300 = tpu.memref_slice %arg2[%dma_wait3A_299] : memref<1048576xi32, #tpu.memory_space<hbm>> -> memref<1048576xi32, #tpu.memory_space<hbm>>
    tpu.wait_indirect_dma semaphore(%arg17 : memref<!tpu.dma_semaphore, #tpu.memory_space<semaphore_mem>>) src(%dma_wait3A_300 : memref<1048576xi32, #tpu.memory_space<hbm>>) dst(%dma_wait3A_296 : memref<128xi32, #tpu.memory_space<vmem>>)
    %dma_wait3A_301 = arith.constant 1792 : i32
    %dma_wait3A_302 = tpu.memref_slice %arg11[%dma_wait3A_301] : memref<3072xi32, #tpu.memory_space<vmem>> -> memref<128xi32, #tpu.memory_space<vmem>>
    %dma_wait3A_303 = arith.constant 1792 : i32
    %dma_wait3A_304 = tpu.memref_slice %arg10[%dma_wait3A_303] : memref<3072xi32, #tpu.memory_space<vmem>> -> memref<128xi32, #tpu.memory_space<vmem>>
    %dma_wait3A_305 = arith.constant 0 : i32
    %dma_wait3A_306 = tpu.memref_slice %arg2[%dma_wait3A_305] : memref<1048576xi32, #tpu.memory_space<hbm>> -> memref<1048576xi32, #tpu.memory_space<hbm>>
    tpu.wait_indirect_dma semaphore(%arg17 : memref<!tpu.dma_semaphore, #tpu.memory_space<semaphore_mem>>) src(%dma_wait3A_306 : memref<1048576xi32, #tpu.memory_space<hbm>>) dst(%dma_wait3A_302 : memref<128xi32, #tpu.memory_space<vmem>>)
    %dma_wait3A_307 = arith.constant 1920 : i32
    %dma_wait3A_308 = tpu.memref_slice %arg11[%dma_wait3A_307] : memref<3072xi32, #tpu.memory_space<vmem>> -> memref<128xi32, #tpu.memory_space<vmem>>
    %dma_wait3A_309 = arith.constant 1920 : i32
    %dma_wait3A_310 = tpu.memref_slice %arg10[%dma_wait3A_309] : memref<3072xi32, #tpu.memory_space<vmem>> -> memref<128xi32, #tpu.memory_space<vmem>>
    %dma_wait3A_311 = arith.constant 0 : i32
    %dma_wait3A_312 = tpu.memref_slice %arg2[%dma_wait3A_311] : memref<1048576xi32, #tpu.memory_space<hbm>> -> memref<1048576xi32, #tpu.memory_space<hbm>>
    tpu.wait_indirect_dma semaphore(%arg17 : memref<!tpu.dma_semaphore, #tpu.memory_space<semaphore_mem>>) src(%dma_wait3A_312 : memref<1048576xi32, #tpu.memory_space<hbm>>) dst(%dma_wait3A_308 : memref<128xi32, #tpu.memory_space<vmem>>)
    %broadcast_in_dim3A_313 = arith.constant 3 : i32
    %broadcast_in_dim3A_314 = vector.broadcast %broadcast_in_dim3A_313 : i32 to vector<16xi32>
    %scan3A_315 = arith.constant 0 : i32
    %scan3A_316 = arith.constant 0 : i32
    %scan3A_317 = arith.constant 32 : i32
    %scan3A_318 = arith.addi %scan3A_316, %scan3A_317 : i32
    %scan3A_319 = arith.constant 1 : i32
    scf.for %scan3A_385 = %scan3A_316 to %scan3A_318 step %scan3A_319  : i32 {
      %mul3A_386 = arith.constant 16 : i32
      %mul3A_387 = arith.muli %scan3A_385, %mul3A_386 : i32
      %add3A_388 = arith.constant 1536 : i32
      %add3A_389 = arith.addi %add3A_388, %mul3A_387 : i32
      %get3A = arith.index_cast %add3A_389 : i32 to index
      %get3A_390 = tpu.vector_load %arg11[%get3A] {strides = array<i32>} : memref<3072xi32, #tpu.memory_space<vmem>>, vector<16xi32>,
      %and3A = arith.constant -65536 : i32
      %and3A_391 = vector.broadcast %and3A : i32 to vector<16xi32>
      %and3A_392 = arith.andi %get3A_390, %and3A_391 : vector<16xi32>
      %bitcast3A = vector.bitcast %and3A_392 : vector<16xi32> to vector<16xf32>
      %add3A_393 = vector.broadcast %mul3A_387 : i32 to vector<16xi32>
      %add3A_394 = arith.addi %add3A_393, %iota3A : vector<16xi32>
      tpu.vector_store_idx %arg12[%add3A_394, %broadcast_in_dim3A_314], %bitcast3A : memref<512x6xf32, #tpu.memory_space<vmem>>[vector<16xi32>, vector<16xi32>], vector<16xf32>,
    }
    %scan3A_320 = arith.constant 32 : i32
    %dma_wait3A_321 = arith.constant 2048 : i32
    %dma_wait3A_322 = tpu.memref_slice %arg11[%dma_wait3A_321] : memref<3072xi32, #tpu.memory_space<vmem>> -> memref<128xi32, #tpu.memory_space<vmem>>
    %dma_wait3A_323 = arith.constant 2048 : i32
    %dma_wait3A_324 = tpu.memref_slice %arg10[%dma_wait3A_323] : memref<3072xi32, #tpu.memory_space<vmem>> -> memref<128xi32, #tpu.memory_space<vmem>>
    %dma_wait3A_325 = arith.constant 0 : i32
    %dma_wait3A_326 = tpu.memref_slice %arg2[%dma_wait3A_325] : memref<1048576xi32, #tpu.memory_space<hbm>> -> memref<1048576xi32, #tpu.memory_space<hbm>>
    tpu.wait_indirect_dma semaphore(%arg18 : memref<!tpu.dma_semaphore, #tpu.memory_space<semaphore_mem>>) src(%dma_wait3A_326 : memref<1048576xi32, #tpu.memory_space<hbm>>) dst(%dma_wait3A_322 : memref<128xi32, #tpu.memory_space<vmem>>)
    %dma_wait3A_327 = arith.constant 2176 : i32
    %dma_wait3A_328 = tpu.memref_slice %arg11[%dma_wait3A_327] : memref<3072xi32, #tpu.memory_space<vmem>> -> memref<128xi32, #tpu.memory_space<vmem>>
    %dma_wait3A_329 = arith.constant 2176 : i32
    %dma_wait3A_330 = tpu.memref_slice %arg10[%dma_wait3A_329] : memref<3072xi32, #tpu.memory_space<vmem>> -> memref<128xi32, #tpu.memory_space<vmem>>
    %dma_wait3A_331 = arith.constant 0 : i32
    %dma_wait3A_332 = tpu.memref_slice %arg2[%dma_wait3A_331] : memref<1048576xi32, #tpu.memory_space<hbm>> -> memref<1048576xi32, #tpu.memory_space<hbm>>
    tpu.wait_indirect_dma semaphore(%arg18 : memref<!tpu.dma_semaphore, #tpu.memory_space<semaphore_mem>>) src(%dma_wait3A_332 : memref<1048576xi32, #tpu.memory_space<hbm>>) dst(%dma_wait3A_328 : memref<128xi32, #tpu.memory_space<vmem>>)
    %dma_wait3A_333 = arith.constant 2304 : i32
    %dma_wait3A_334 = tpu.memref_slice %arg11[%dma_wait3A_333] : memref<3072xi32, #tpu.memory_space<vmem>> -> memref<128xi32, #tpu.memory_space<vmem>>
    %dma_wait3A_335 = arith.constant 2304 : i32
    %dma_wait3A_336 = tpu.memref_slice %arg10[%dma_wait3A_335] : memref<3072xi32, #tpu.memory_space<vmem>> -> memref<128xi32, #tpu.memory_space<vmem>>
    %dma_wait3A_337 = arith.constant 0 : i32
    %dma_wait3A_338 = tpu.memref_slice %arg2[%dma_wait3A_337] : memref<1048576xi32, #tpu.memory_space<hbm>> -> memref<1048576xi32, #tpu.memory_space<hbm>>
    tpu.wait_indirect_dma semaphore(%arg18 : memref<!tpu.dma_semaphore, #tpu.memory_space<semaphore_mem>>) src(%dma_wait3A_338 : memref<1048576xi32, #tpu.memory_space<hbm>>) dst(%dma_wait3A_334 : memref<128xi32, #tpu.memory_space<vmem>>)
    %dma_wait3A_339 = arith.constant 2432 : i32
    %dma_wait3A_340 = tpu.memref_slice %arg11[%dma_wait3A_339] : memref<3072xi32, #tpu.memory_space<vmem>> -> memref<128xi32, #tpu.memory_space<vmem>>
    %dma_wait3A_341 = arith.constant 2432 : i32
    %dma_wait3A_342 = tpu.memref_slice %arg10[%dma_wait3A_341] : memref<3072xi32, #tpu.memory_space<vmem>> -> memref<128xi32, #tpu.memory_space<vmem>>
    %dma_wait3A_343 = arith.constant 0 : i32
    %dma_wait3A_344 = tpu.memref_slice %arg2[%dma_wait3A_343] : memref<1048576xi32, #tpu.memory_space<hbm>> -> memref<1048576xi32, #tpu.memory_space<hbm>>
    tpu.wait_indirect_dma semaphore(%arg18 : memref<!tpu.dma_semaphore, #tpu.memory_space<semaphore_mem>>) src(%dma_wait3A_344 : memref<1048576xi32, #tpu.memory_space<hbm>>) dst(%dma_wait3A_340 : memref<128xi32, #tpu.memory_space<vmem>>)
    %broadcast_in_dim3A_345 = arith.constant 4 : i32
    %broadcast_in_dim3A_346 = vector.broadcast %broadcast_in_dim3A_345 : i32 to vector<16xi32>
    %scan3A_347 = arith.constant 0 : i32
    %scan3A_348 = arith.constant 0 : i32
    %scan3A_349 = arith.constant 32 : i32
    %scan3A_350 = arith.addi %scan3A_348, %scan3A_349 : i32
    %scan3A_351 = arith.constant 1 : i32
    scf.for %scan3A_385 = %scan3A_348 to %scan3A_350 step %scan3A_351  : i32 {
      %mul3A_386 = arith.constant 16 : i32
      %mul3A_387 = arith.muli %scan3A_385, %mul3A_386 : i32
      %add3A_388 = arith.constant 2048 : i32
      %add3A_389 = arith.addi %add3A_388, %mul3A_387 : i32
      %get3A = arith.index_cast %add3A_389 : i32 to index
      %get3A_390 = tpu.vector_load %arg11[%get3A] {strides = array<i32>} : memref<3072xi32, #tpu.memory_space<vmem>>, vector<16xi32>,
      %and3A = arith.constant -65536 : i32
      %and3A_391 = vector.broadcast %and3A : i32 to vector<16xi32>
      %and3A_392 = arith.andi %get3A_390, %and3A_391 : vector<16xi32>
      %bitcast3A = vector.bitcast %and3A_392 : vector<16xi32> to vector<16xf32>
      %add3A_393 = vector.broadcast %mul3A_387 : i32 to vector<16xi32>
      %add3A_394 = arith.addi %add3A_393, %iota3A : vector<16xi32>
      tpu.vector_store_idx %arg12[%add3A_394, %broadcast_in_dim3A_346], %bitcast3A : memref<512x6xf32, #tpu.memory_space<vmem>>[vector<16xi32>, vector<16xi32>], vector<16xf32>,
    }
    %scan3A_352 = arith.constant 32 : i32
    %dma_wait3A_353 = arith.constant 2560 : i32
    %dma_wait3A_354 = tpu.memref_slice %arg11[%dma_wait3A_353] : memref<3072xi32, #tpu.memory_space<vmem>> -> memref<128xi32, #tpu.memory_space<vmem>>
    %dma_wait3A_355 = arith.constant 2560 : i32
    %dma_wait3A_356 = tpu.memref_slice %arg10[%dma_wait3A_355] : memref<3072xi32, #tpu.memory_space<vmem>> -> memref<128xi32, #tpu.memory_space<vmem>>
    %dma_wait3A_357 = arith.constant 0 : i32
    %dma_wait3A_358 = tpu.memref_slice %arg2[%dma_wait3A_357] : memref<1048576xi32, #tpu.memory_space<hbm>> -> memref<1048576xi32, #tpu.memory_space<hbm>>
    tpu.wait_indirect_dma semaphore(%arg19 : memref<!tpu.dma_semaphore, #tpu.memory_space<semaphore_mem>>) src(%dma_wait3A_358 : memref<1048576xi32, #tpu.memory_space<hbm>>) dst(%dma_wait3A_354 : memref<128xi32, #tpu.memory_space<vmem>>)
    %dma_wait3A_359 = arith.constant 2688 : i32
    %dma_wait3A_360 = tpu.memref_slice %arg11[%dma_wait3A_359] : memref<3072xi32, #tpu.memory_space<vmem>> -> memref<128xi32, #tpu.memory_space<vmem>>
    %dma_wait3A_361 = arith.constant 2688 : i32
    %dma_wait3A_362 = tpu.memref_slice %arg10[%dma_wait3A_361] : memref<3072xi32, #tpu.memory_space<vmem>> -> memref<128xi32, #tpu.memory_space<vmem>>
    %dma_wait3A_363 = arith.constant 0 : i32
    %dma_wait3A_364 = tpu.memref_slice %arg2[%dma_wait3A_363] : memref<1048576xi32, #tpu.memory_space<hbm>> -> memref<1048576xi32, #tpu.memory_space<hbm>>
    tpu.wait_indirect_dma semaphore(%arg19 : memref<!tpu.dma_semaphore, #tpu.memory_space<semaphore_mem>>) src(%dma_wait3A_364 : memref<1048576xi32, #tpu.memory_space<hbm>>) dst(%dma_wait3A_360 : memref<128xi32, #tpu.memory_space<vmem>>)
    %dma_wait3A_365 = arith.constant 2816 : i32
    %dma_wait3A_366 = tpu.memref_slice %arg11[%dma_wait3A_365] : memref<3072xi32, #tpu.memory_space<vmem>> -> memref<128xi32, #tpu.memory_space<vmem>>
    %dma_wait3A_367 = arith.constant 2816 : i32
    %dma_wait3A_368 = tpu.memref_slice %arg10[%dma_wait3A_367] : memref<3072xi32, #tpu.memory_space<vmem>> -> memref<128xi32, #tpu.memory_space<vmem>>
    %dma_wait3A_369 = arith.constant 0 : i32
    %dma_wait3A_370 = tpu.memref_slice %arg2[%dma_wait3A_369] : memref<1048576xi32, #tpu.memory_space<hbm>> -> memref<1048576xi32, #tpu.memory_space<hbm>>
    tpu.wait_indirect_dma semaphore(%arg19 : memref<!tpu.dma_semaphore, #tpu.memory_space<semaphore_mem>>) src(%dma_wait3A_370 : memref<1048576xi32, #tpu.memory_space<hbm>>) dst(%dma_wait3A_366 : memref<128xi32, #tpu.memory_space<vmem>>)
    %dma_wait3A_371 = arith.constant 2944 : i32
    %dma_wait3A_372 = tpu.memref_slice %arg11[%dma_wait3A_371] : memref<3072xi32, #tpu.memory_space<vmem>> -> memref<128xi32, #tpu.memory_space<vmem>>
    %dma_wait3A_373 = arith.constant 2944 : i32
    %dma_wait3A_374 = tpu.memref_slice %arg10[%dma_wait3A_373] : memref<3072xi32, #tpu.memory_space<vmem>> -> memref<128xi32, #tpu.memory_space<vmem>>
    %dma_wait3A_375 = arith.constant 0 : i32
    %dma_wait3A_376 = tpu.memref_slice %arg2[%dma_wait3A_375] : memref<1048576xi32, #tpu.memory_space<hbm>> -> memref<1048576xi32, #tpu.memory_space<hbm>>
    tpu.wait_indirect_dma semaphore(%arg19 : memref<!tpu.dma_semaphore, #tpu.memory_space<semaphore_mem>>) src(%dma_wait3A_376 : memref<1048576xi32, #tpu.memory_space<hbm>>) dst(%dma_wait3A_372 : memref<128xi32, #tpu.memory_space<vmem>>)
    %broadcast_in_dim3A_377 = arith.constant 5 : i32
    %broadcast_in_dim3A_378 = vector.broadcast %broadcast_in_dim3A_377 : i32 to vector<16xi32>
    %scan3A_379 = arith.constant 0 : i32
    %scan3A_380 = arith.constant 0 : i32
    %scan3A_381 = arith.constant 32 : i32
    %scan3A_382 = arith.addi %scan3A_380, %scan3A_381 : i32
    %scan3A_383 = arith.constant 1 : i32
    scf.for %scan3A_385 = %scan3A_380 to %scan3A_382 step %scan3A_383  : i32 {
      %mul3A_386 = arith.constant 16 : i32
      %mul3A_387 = arith.muli %scan3A_385, %mul3A_386 : i32
      %add3A_388 = arith.constant 2560 : i32
      %add3A_389 = arith.addi %add3A_388, %mul3A_387 : i32
      %get3A = arith.index_cast %add3A_389 : i32 to index
      %get3A_390 = tpu.vector_load %arg11[%get3A] {strides = array<i32>} : memref<3072xi32, #tpu.memory_space<vmem>>, vector<16xi32>,
      %and3A = arith.constant -65536 : i32
      %and3A_391 = vector.broadcast %and3A : i32 to vector<16xi32>
      %and3A_392 = arith.andi %get3A_390, %and3A_391 : vector<16xi32>
      %bitcast3A = vector.bitcast %and3A_392 : vector<16xi32> to vector<16xf32>
      %add3A_393 = vector.broadcast %mul3A_387 : i32 to vector<16xi32>
      %add3A_394 = arith.addi %add3A_393, %iota3A : vector<16xi32>
      tpu.vector_store_idx %arg12[%add3A_394, %broadcast_in_dim3A_378], %bitcast3A : memref<512x6xf32, #tpu.memory_space<vmem>>[vector<16xi32>, vector<16xi32>], vector<16xf32>,
    }
    %scan3A_384 = arith.constant 32 : i32
    "tpu.region"() ({
      %run_scoped3A = tpu.sem_alloc : memref<!tpu.dma_semaphore, #tpu.memory_space<semaphore_mem>>
      %dma_start3A_385 = arith.constant 0 : i32
      %dma_start3A_386 = tpu.memref_slice %arg6[%mul3A_2, %dma_start3A_385] : memref<16384x6xf32, #tpu.memory_space<hbm>> -> memref<512x6xf32, #tpu.memory_space<hbm>>
      %dma_start3A_387 = arith.constant 0 : i32
      %dma_start3A_388 = tpu.memref_slice %arg6[%mul3A_2, %dma_start3A_387] : memref<16384x6xf32, #tpu.memory_space<hbm>> -> memref<512x6xf32, #tpu.memory_space<hbm>>
      tpu.enqueue_dma source(%arg12 : memref<512x6xf32, #tpu.memory_space<vmem>>) target(%dma_start3A_388 : memref<512x6xf32, #tpu.memory_space<hbm>>) target_semaphore(%run_scoped3A : memref<!tpu.dma_semaphore, #tpu.memory_space<semaphore_mem>>)
      %dma_wait3A_389 = arith.constant 0 : i32
      %dma_wait3A_390 = tpu.memref_slice %arg6[%mul3A_2, %dma_wait3A_389] : memref<16384x6xf32, #tpu.memory_space<hbm>> -> memref<512x6xf32, #tpu.memory_space<hbm>>
      %dma_wait3A_391 = arith.constant 0 : i32
      %dma_wait3A_392 = tpu.memref_slice %arg6[%mul3A_2, %dma_wait3A_391] : memref<16384x6xf32, #tpu.memory_space<hbm>> -> memref<512x6xf32, #tpu.memory_space<hbm>>
      tpu.wait_dma2 semaphore(%run_scoped3A : memref<!tpu.dma_semaphore, #tpu.memory_space<semaphore_mem>>) src(%arg12 : memref<512x6xf32, #tpu.memory_space<vmem>>) dst(%dma_wait3A_392 : memref<512x6xf32, #tpu.memory_space<hbm>>)
      tpu.yield
    }) : () -> ()
    return
  }
}

module attributes {stable_mosaic.version = 14 : i64} {
  func.func @_ce_table_body(%arg0: i32, %arg1: memref<512x128xf32, #tpu.memory_space<vmem>>, %arg2: memref<1024x128xf32, #tpu.memory_space<vmem>>, %arg3: memref<1024xf32, #tpu.memory_space<vmem>>, %arg4: memref<4096x128xi32, #tpu.memory_space<vmem>>) attributes {dimension_semantics = [#tpu.dimension_semantics<arbitrary>], iteration_bounds = array<i64: 2>, scalar_prefetch = 0 : i64, scratch_operands = 0 : i64, tpu.core_type = #tpu.core_type<tc>, window_params = [{transform_indices = @transform_0, window_bounds = array<i64: 512, 128>}, {transform_indices = @transform_1, window_bounds = array<i64: 1024, 128>}, {transform_indices = @transform_2, window_bounds = array<i64: 1024>}, {transform_indices = @transform_3, window_bounds = array<i64: 4096, 128>}]} {
    %get3A = arith.constant 0 : index
    %get3A_0 = arith.constant 0 : index
    %get3A_1 = vector.load %arg1[%get3A, %get3A_0] : memref<512x128xf32, #tpu.memory_space<vmem>>, vector<512x128xf32>
    %convert_element_type3A = arith.truncf %get3A_1 : vector<512x128xf32> to vector<512x128xbf16>
    %get3A_2 = arith.constant 0 : index
    %get3A_3 = arith.constant 0 : index
    %get3A_4 = vector.load %arg2[%get3A_2, %get3A_3] : memref<1024x128xf32, #tpu.memory_space<vmem>>, vector<1024x128xf32>
    %convert_element_type3A_5 = arith.truncf %get3A_4 : vector<1024x128xf32> to vector<1024x128xbf16>
    %dot_general3A = arith.constant dense<0.000000e+00> : vector<512x1024xf32>
    %dot_general3A_6 = tpu.matmul %convert_element_type3A, %convert_element_type3A_5, %dot_general3A {dimension_numbers = #tpu.dot_dimension_numbers<[1], [1], [0], [0], [0, 0, 1, 0], [], []>, transpose_lhs_hint = false} : vector<512x128xbf16>, vector<1024x128xbf16>, vector<512x1024xf32> -> vector<512x1024xf32>
    %get3A_7 = arith.constant 0 : index
    %get3A_8 = vector.load %arg3[%get3A_7] : memref<1024xf32, #tpu.memory_space<vmem>>, vector<1024xf32>
    %reshape3A = vector.shape_cast %get3A_8 : vector<1024xf32> to vector<1x1024xf32>
    %add3A = vector.broadcast %reshape3A : vector<1x1024xf32> to vector<512x1024xf32>
    %add3A_9 = arith.addf %dot_general3A_6, %add3A : vector<512x1024xf32>
    %max3A = arith.constant 0.000000e+00 : f32
    %max3A_10 = vector.broadcast %max3A : f32 to vector<512x1024xf32>
    %max3A_11 = arith.maximumf %add3A_9, %max3A_10 : vector<512x1024xf32>
    %abs3A = math.absf %add3A_9 : vector<512x1024xf32>
    %neg3A = arith.constant 0.000000e+00 : f32
    %neg3A_12 = vector.broadcast %neg3A : f32 to vector<512x1024xf32>
    %neg3A_13 = arith.subf %neg3A_12, %abs3A : vector<512x1024xf32>
    %exp3A = math.exp %neg3A_13 : vector<512x1024xf32>
    %log1p3A = math.log1p %exp3A : vector<512x1024xf32>
    %sub3A = arith.subf %max3A_11, %add3A_9 : vector<512x1024xf32>
    %add3A_14 = arith.addf %sub3A, %log1p3A : vector<512x1024xf32>
    %add3A_15 = arith.addf %max3A_11, %log1p3A : vector<512x1024xf32>
    %convert_element_type3A_16 = arith.truncf %add3A_14 : vector<512x1024xf32> to vector<512x1024xbf16>
    %bitcast_convert_type3A = tpu.bitcast %convert_element_type3A_16 : vector<512x1024xbf16> -> vector<512x1024xi16>
    %convert_element_type3A_17 = arith.truncf %add3A_15 : vector<512x1024xf32> to vector<512x1024xbf16>
    %bitcast_convert_type3A_18 = tpu.bitcast %convert_element_type3A_17 : vector<512x1024xbf16> -> vector<512x1024xi16>
    %convert_element_type3A_19 = arith.extui %bitcast_convert_type3A : vector<512x1024xi16> to vector<512x1024xi32>
    %convert_element_type3A_20 = arith.extui %bitcast_convert_type3A_18 : vector<512x1024xi16> to vector<512x1024xi32>
    %shift_left3A = arith.constant 16 : i32
    %shift_left3A_21 = vector.broadcast %shift_left3A : i32 to vector<512x1024xi32>
    %shift_left3A_22 = arith.shli %convert_element_type3A_20, %shift_left3A_21 : vector<512x1024xi32>
    %or3A = arith.ori %convert_element_type3A_19, %shift_left3A_22 : vector<512x1024xi32>
    %reshape3A_23 = vector.shape_cast %or3A : vector<512x1024xi32> to vector<4096x128xi32>
    %swap3A = arith.constant 0 : index
    %swap3A_24 = arith.constant 0 : index
    %swap3A_25 = vector.load %arg4[%swap3A, %swap3A_24] : memref<4096x128xi32, #tpu.memory_space<vmem>>, vector<4096x128xi32>
    tpu.vector_store %arg4[%swap3A, %swap3A_24], %reshape3A_23 {strides = array<i32>} : memref<4096x128xi32, #tpu.memory_space<vmem>>, vector<4096x128xi32>,
    return
  }
  func.func @transform_0(%arg0: i32) -> (i32, i32) {
    %c0_i32 = arith.constant 0 : i32
    %c0_i32_0 = arith.constant 0 : i32
    return %arg0, %c0_i32 : i32, i32
  }
  func.func @transform_1(%arg0: i32) -> (i32, i32) {
    %c0_i32 = arith.constant 0 : i32
    %c0_i32_0 = arith.constant 0 : i32
    %c0_i32_1 = arith.constant 0 : i32
    return %c0_i32, %c0_i32_0 : i32, i32
  }
  func.func @transform_2(%arg0: i32) -> i32 {
    %c0_i32 = arith.constant 0 : i32
    %c0_i32_0 = arith.constant 0 : i32
    return %c0_i32 : i32
  }
  func.func @transform_3(%arg0: i32) -> (i32, i32) {
    %c0_i32 = arith.constant 0 : i32
    %c0_i32_0 = arith.constant 0 : i32
    return %arg0, %c0_i32 : i32, i32
  }
}

</mosaic_0001>

<sc_bundles>
// kernel: kernel.4.cloned.1.call-start
scs
__scs_entry_jumppad:
0x0: {  	(pc) =	sbr.rel $0x88, $3  }
0x1: {  	(tag) =	ssettag $0x0;
	lr =	simm.s32 $0x1  }
0x2: {  	[smem:$0x3F9B] =	sst lr;
	_ =	strace $0xD0000000  }
0x3: {  	_ = 	snop  }
0x4: {  	_ = 	snop  }
0x5: {  	_ = 	snop  }
0x6: {  	_ = 	snop  }
0x7: {  	_ = 	snop  }
__scs_overlays_trampoline_lowered:
0x8: {  	[smem:$0x3FAA] =	sst s0  }
0x9: {  	[smem:$0x3FAB] =	sst s1  }
0xa: {  	[smem:$0x3FAC] =	sst s2  }
0xb: {  	[smem:$0x3FAD] =	sst s3  }
0xc: {  	[smem:$0x3FAE] =	sst s4  }
0xd: {  	[smem:$0x3FAF] =	sst s5  }
0xe: {  	[smem:$0x3FB0] =	sst s6  }
0xf: {  	[smem:$0x3FB1] =	sst s7  }
0x10: {  	[smem:$0x3FB2] =	sst s8  }
0x11: {  	[smem:$0x3FB3] =	sst s9;
	s0 =	simm.s32 @!p0 $0x0  }
0x12: {  	s1 =	sld [smem:$0x3F99];
	s0 =	simm.s32 @p0 $0x1  }
0x13: {  	[smem:$0x3FB4] =	sst s0;
	s0 =	simm.s32 @!p1 $0x0  }
0x14: {  	s2 =	sld [smem:$0x3F98];
	s0 =	simm.s32 @p1 $0x1  }
0x15: {  	[smem:$0x3FB5] =	sst s0;
	s0 =	simm.s32 @!p2 $0x0  }
0x16: {  	s3 =	sld [smem:$0x3FDB];
	s0 =	simm.s32 @p2 $0x1  }
0x17: {  	s4 =	simm.s32 $0x1BF5;
	[smem:$0x3FB7] =	sst s0  }
0x18: {  	s0 =	sld [smem:$0x3F9A];
	_ =	swait.ge [sflag:s4], $0x0  }
0x19: {  	s7 =	sld [smem:$0x3F9B]  }
0x1a: {  	s8 =	sadd.s32 $0xFFFFE003, lr  }
0x1b: {  	s9 =	sadd.s32 $0xFFFFFEF7, lr;
	s5 =	simm.s32 $0xFFFFFFFF;
	p2 =	slt.u32 s8, $0xFFFFF086  }
0x1c: {  	p1 =	slt.u32 s9, $0xF7A;
	s5 =	simm.s32 @!p2 $0x0  }
0x1d: {  	s5 =	simm.s32 @p1 $0x1;
	p0 =	seq.s32 s7, s2  }
0x1e: {  	s7 =	smul.u32 @!p0 $0xF7A, s2;
	p2 =	seq.s32 @!p0 s5, $0x0  }
0x1f: {  	s9 =	smul.u32 $0xF7A, s1;
	s8 =	simm.s32 @!p0 $0x1BF5;
	p2 =	por !p2, p0  }
0x20: {  	[sflag:s8] =	ssyncset.s32 @!p0 $0xFFFFF086;
	s6 =	sadd.s32 @!p0 s3, s7;
	s7 =	simm.s32 @!p0 $0x108  }
0x21: {  	s3 =	sadd.s32 s3, s9;
	s6 =	sadd.s32 @!p0 $0x88, s6;
	s7 =	simm.s32 @p2 $0x1082  }
0x22: {  	[simem:s7], [sflag:s8] =	dma.local @!p0 [hbm:s6], $0xF7A  }
0x23: {  	s9 =	sor.u32 $0xD0000000, s2;
	s6 =	simm.s32 $0x108;
	_ =	swait.ge @!p0 [sflag:s8], $0x0  }
0x24: {  	s3 =	sadd.s32 $0x88, s3;
	s6 =	simm.s32 @!p1 $0x1082;
	[sflag:s4] =	ssyncset.s32 $0xFFFFF086  }
0x25: {  	[simem:s6], [sflag:s4] =	dma.local [hbm:s3], $0xF7A  }
0x26: {  	[smem:$0x3F9B] =	sst s1;
	(tag) =	ssettag s2;
	_ =	strace s9  }
0x27: {  	s1 =	sld [smem:$0x3FAB]  }
0x28: {  	s2 =	sld [smem:$0x3FAC]  }
0x29: {  	s4 =	sld [smem:$0x3FAE]  }
0x2a: {  	p0 =	seq.s32 s5, $0x0;
	s5 =	sld [smem:$0x3FAF]  }
0x2b: {  	s6 =	sld [smem:$0x3FB0]  }
0x2c: {  	s7 =	sld [smem:$0x3FB1]  }
0x2d: {  	s3 =	simm.s32 $0x108;
	s8 =	sld [smem:$0x3FB2]  }
0x2e: {  	s3 =	simm.s32 @!p0 $0x1082;
	s9 =	sld [smem:$0x3FB3]  }
0x2f: {  	lr =	sadd.s32 s0, s3;
	s0 =	sld [smem:$0x3FAA]  }
0x30: {  	s3 =	sld [smem:$0x3FAD]  }
0x31: {  	[smem:$0x3FB6] =	sst s10  }
0x32: {  	s10 =	sld [smem:$0x3FB4];
	_ =	sdelay $0x3  }
0x33: {  	p0 =	seq.s32 s10, $0x1;
	s10 =	sld [smem:$0x3FB6];
	_ =	sdelay $0x3  }
0x34: {  	[smem:$0x3FB6] =	sst s10  }
0x35: {  	s10 =	sld [smem:$0x3FB5];
	_ =	sdelay $0x3  }
0x36: {  	p1 =	seq.s32 s10, $0x1;
	s10 =	sld [smem:$0x3FB6];
	_ =	sdelay $0x3  }
0x37: {  	[smem:$0x3FB6] =	sst s10  }
0x38: {  	s10 =	sld [smem:$0x3FB7]  }
0x39: {  	_ = 	snop;
	(pc) =	sbr.ind lr, $3  }
0x3a: {  	_ = 	snop  }
0x3b: {  	_ = 	snop  }
0x3c: {  	p2 =	seq.s32 s10, $0x1;
	s10 =	sld [smem:$0x3FB6]  }
0x3d: {  	_ =	shalt  }
0x3e: {  	_ =	shalt  }
0x3f: {  	_ =	shalt  }
0x40: {  	_ =	shalt  }
0x41: {  	_ =	shalt  }
0x42: {  	_ =	shalt  }
0x43: {  	_ =	shalt  }
0x44: {  	_ =	shalt  }
0x45: {  	_ =	shalt  }
0x46: {  	_ =	shalt  }
0x47: {  	_ =	shalt  }
0x48: {  	_ =	shalt  }
0x49: {  	_ =	shalt  }
0x4a: {  	_ =	shalt  }
0x4b: {  	_ =	shalt  }
0x4c: {  	_ =	shalt  }
0x4d: {  	_ =	shalt  }
0x4e: {  	_ =	shalt  }
0x4f: {  	_ =	shalt  }
0x50: {  	_ =	shalt  }
0x51: {  	_ =	shalt  }
0x52: {  	_ =	shalt  }
0x53: {  	_ =	shalt  }
0x54: {  	_ =	shalt  }
0x55: {  	_ =	shalt  }
0x56: {  	_ =	shalt  }
0x57: {  	_ =	shalt  }
0x58: {  	_ =	shalt  }
0x59: {  	_ =	shalt  }
0x5a: {  	_ =	shalt  }
0x5b: {  	_ =	shalt  }
0x5c: {  	_ =	shalt  }
0x5d: {  	_ =	shalt  }
0x5e: {  	_ =	shalt  }
0x5f: {  	_ =	shalt  }
0x60: {  	_ =	shalt  }
0x61: {  	_ =	shalt  }
0x62: {  	_ =	shalt  }
0x63: {  	_ =	shalt  }
0x64: {  	_ =	shalt  }
0x65: {  	_ =	shalt  }
0x66: {  	_ =	shalt  }
0x67: {  	_ =	shalt  }
0x68: {  	_ =	shalt  }
0x69: {  	_ =	shalt  }
0x6a: {  	_ =	shalt  }
0x6b: {  	_ =	shalt  }
0x6c: {  	_ =	shalt  }
0x6d: {  	_ =	shalt  }
0x6e: {  	_ =	shalt  }
0x6f: {  	_ =	shalt  }
0x70: {  	_ =	shalt  }
0x71: {  	_ =	shalt  }
0x72: {  	_ =	shalt  }
0x73: {  	_ =	shalt  }
0x74: {  	_ =	shalt  }
0x75: {  	_ =	shalt  }
0x76: {  	_ =	shalt  }
0x77: {  	_ =	shalt  }
0x78: {  	_ =	shalt  }
0x79: {  	_ =	shalt  }
0x7a: {  	_ =	shalt  }
0x7b: {  	_ =	shalt  }
0x7c: {  	_ =	shalt  }
0x7d: {  	_ =	shalt  }
0x7e: {  	_ =	shalt  }
0x7f: {  	_ =	shalt  }
0x80: {  	_ =	shalt  }
0x81: {  	_ =	shalt  }
0x82: {  	_ =	shalt  }
0x83: {  	_ =	shalt  }
0x84: {  	_ =	shalt  }
0x85: {  	_ =	shalt  }
0x86: {  	_ =	shalt  }
0x87: {  	_ =	shalt  }
.Lfunc_end0:
.L_simem_size_0:
called_computation_lowered:
.L_overlay_start_0:
0x88: {  	s2 =	sld [smem:$0x3FD9]  }
0x89: {  	s3 =	sld [smem:$0x3FFE];
	_ =	sdelay $0x1  }
0x8a: {  	s1 =	srdreg.scid  }
0x8b: {  	s0 =	sand.u32 $0x1, s1  }
0x8c: {  	s17 =	sshll.u32 s0, $0xA;
	s2 =	sadd.s32 s3, s2  }
0x8d: {  	s2 =	sadd.s32 s2, s17  }
0x8e: {  	[smem:$0x3FC2] =	sst s2  }
0x8f: {  	_ = 	snop  }
0x90: {  	s2 =	sld [smem:$0x3FC9]  }
0x91: {  	s18 =	sld [smem:$0x3FC8]  }
0x92: {  	s4 =	sld [smem:$0x3FC4];
	(tm) =	ssettm $0x1  }
0x93: {  	s5 =	sld [smem:$0x3FFB];
	_ =	sdelay $0x3  }
0x94: {  	_ =	strace s5  }
0x95: {  	s5 =	sld [smem:$0x3FFC];
	_ =	sdelay $0x3  }
0x96: {  	_ =	strace s5  }
0x97: {  	s5 =	sld [smem:$0x3FFD];
	_ =	sdelay $0x3  }
0x98: {  	_ =	strace s5  }
0x99: {  	_ =	strace $0x8FFFFFFF  }
0x9a: {  	s19 =	sld [smem:$0x3FDB];
	_ =	sdelay $0x1  }
0x9b: {  	s6 =	simm.s32 $_scs_section_size  }
0x9c: {  	s7 =	simm.s32 $_size__tile_overlayer_lowered;
	s8 =	simm.s32 $_tile_overlayer_lowered  }
0x9d: {  	s22 =	simm.s32 $0x1BFF;
	s21 =	sshll.u32 s8, $0x1;
	s5 =	sadd.s32 s6, s19  }
0x9e: {  	s9 =	simm.s32 $0x0;
	s20 =	sshll.u32 s7, $0x1;
	s7 =	sadd.s32 s21, s5  }
0x9f: {  	[timem:s9], [sflag:s22] =	dma.local [hbm:s7], s20  }
0xa0: {  	_ =	swait.ge [sflag:s22], s20  }
0xa1: {  	s6 =	ssub.s32 $0x0, s20;
	[sflag:s22] =	ssyncset.done $0x0  }
0xa2: {  	[sflag:s22] =	ssyncadd.s32 s6;
	_ =	sdelay $0x1  }
0xa3: {  	s23 =	simm.s32 $0x1B8B  }
0xa4: {  	_ =	swait.ge [sflag:s23], $0x1  }
0xa5: {  	[sflag:s23] =	ssyncset.done $0x0  }
0xa6: {  	s25 =	simm.s32 $0x1B8E;
	s24 =	sld [smem:$0x3FFE];
	[sflag:s23] =	ssyncadd.s32 $0xFFFFFFFF  }
0xa7: {  	s26 =	simm.s32 $execute0_lowered;
	[smem:$0x3FD2] =	sst s25  }
0xa8: {  	s7 =	sshll.u32 s26, $0x1;
	_ =	strace $0x80000046;
	[dreg:$0x1] =	wrdreg $0xFFFFFFFF  }
0xa9: {  	s28 =	simm.s32 $_size_execute0_lowered;
	s5 =	sadd.s32 s5, s7;
	[dreg:$0x0] =	wrdreg $0x0  }
0xaa: {  	s7 =	sshll.u32 s28, $0x1;
	[dreg:$0x2] =	wrdreg s5  }
0xab: {  	[dreg:$0x3] =	wrdreg s7  }
0xac: {  	[dreg:$0x4] =	wrdreg $0xC0  }
0xad: {  	_ =	task [dreg:s9], $0x5FFFF  }
0xae: {  	[dreg:$0x1] =	wrdreg $0xFFFFFFFF  }
0xaf: {  	[dreg:$0x0] =	wrdreg $0x60  }
0xb0: {  	[dreg:$0x2] =	wrdreg s24  }
0xb1: {  	[dreg:$0x3] =	wrdreg s2  }
0xb2: {  	[dreg:$0x4] =	wrdreg s18  }
0xb3: {  	[dreg:$0x5] =	wrdreg s4  }
0xb4: {  	[dreg:$0x6] =	wrdreg $0x9  }
0xb5: {  	_ =	task.clear_ibuf [dreg:s9], $0x7FFFF;
	_ =	strace $0x90000046  }
0xb6: {  	s29 =	simm.s32 $0x9;
	_ =	strace $0x80000048  }
0xb7: {  	_ =	swait.ge [sflag:s29], $0x1  }
0xb8: {  	[sflag:s29] =	ssyncadd.s32 $0xFFFFFFFF  }
0xb9: {  	_ =	strace $0x90000048  }
0xba: {  	_ =	sfence  }
0xbb: {  	s30 =	sld [smem:$0x0];
	_ =	sdelay $0x2  }
0xbc: {  	s31 =	sshll.u32 s1, $0xD;
	s1 =	sshrl.u32 s1, $0x2  }
0xbd: {  	s3 =	sand.u32 $0x4000, s31;
	s1 =	sadd.s32 s1, s30  }
0xbe: {  	s0 =	sor.u32 s3, s0;
	s1 =	sshll.u32 s1, $0x11  }
0xbf: {  	s0 =	sor.u32 s1, s0  }
0xc0: {  	s0 =	sadd.s32 $0x8F2B, s0  }
0xc1: {  	[sflag:s0] =	ssyncadd.remote.s32 $0x1  }
0xc2: {  	_ =	sfence.sel $0xFFFF  }
0xc3: {  	[dreg:$0x0] =	wrdreg $0xFFFFFFFF;
	(pc) =	sbr.abs _section_cstart, $3  }
0xc4: {  	[dreg:$0x1] =	wrdreg $0xFFFFFFFF  }
0xc5: {  	_ =	task.clear_ibuf [dreg:s9], $0x2FFFF;
	_ =	strace $0x9FFFFFFF  }
0xc6: {  	(tm) =	ssettm $0x7FFFFFFF  }
0xc7: {  	_ =	shalt  }
tec
execute0_lowered:
.L_overlay_start_1:
0x0: {  	(tag) =	ssettag $0x1  }
0x1: {  	s0 =	rddreg [dreg:$0x0]  }
0x2: {  	s1 =	rddreg [dreg:$0x1]  }
0x3: {  	s5 =	rddreg [dreg:$0x2]  }
0x4: {  	s6 =	rddreg [dreg:$0x3];
	s2 =	simm.s32 $0x0  }
0x5: {  	s3 =	srdreg.scid;
	s7 =	stileid.u32;
	s11 =	simm.s32 $0x1  }
0x6: {  	s12 =	simm.s32 $0x80;
	s13 =	simm.s32 $0x1880;
	s14 =	simm.s32 $0x2480  }
0x7: {  	s15 =	simm.s32 $0x1900;
	s16 =	simm.s32 $0x2500;
	s17 =	simm.s32 $0x1980  }
0x8: {  	s18 =	simm.s32 $0x2580;
	s19 =	simm.s32 $0x2;
	s20 =	simm.s32 $0x2600  }
0x9: {  	s21 =	simm.s32 $0x3;
	s22 =	simm.s32 $0x4;
	s23 =	simm.s32 $0x5  }
0xa: {  	s24 =	simm.s32 $0x6;
	s25 =	simm.s32 $0x7;
	s26 =	simm.s32 $0x8  }
0xb: {  	s28 =	simm.s32 $0x0;
	s4 =	sand.u32 $0x1, s3;
	s7 =	sshll.u32 s7, $0x1  }
0xc: {  	[smem:$0x7FF] =	sst s2;
	s3 =	sadd.s32 $0xC00, s0;
	s7 =	sor.u32 s4, s7  }
0xd: {  	v5 =	vlaneseq.u32;
	_ =	strace $0x80000047;
	s4 =	ssub.s32 $0x2, s4;
	s8 =	sshll.u32 s7, $0xD  }
0xe: {  	v0 =	vmul.u32 $0x5, v5;
	s9 =	sshrl.u32 s4, $0x1;
	s10 =	smul.u32 $0x140, s7;
	s7 =	sshll.u32 s7, $0x6  }
0xf: {  	s0 =	sadd.s32 s8, s0;
	s31 =	ssub.s32 s4, s9;
	s4 =	sadd.s32 s1, s7  }
0x10: {  	v5 =	vmul.u32 $0x80, v5;
	v1 =	vadd.s32 $0x1, v0;
	s5 =	sadd.s32 s5, s7;
	s9 =	simm.s32 $0x2400;
	s6 =	sadd.s32 s6, s10  }
0x11: {  	v2 =	vadd.s32 $0x2, v0;
	v3 =	vadd.s32 $0x3, v0;
	v4 =	vadd.s32 $0x4, v0;
	s7 =	sadd.s32 $0x20C00, s0;
	s8 =	smax.u32 s31, $0x1;
	s10 =	simm.s32 $0x400  }
.LBB2_1:
0x12: {  	[tilespmem:s2], [sflag:$0x1] =	stream.linear.gather [hbm4b:s4+s2], $0x200, $0x38;
	[tilespmem:$0x12600] =	vst v63  }
0x13: {  	s0 =	simm.s32 $0x200  }
0x14: {  	[tilespmem:s0], [sflag:$0x1] =	stream.linear.gather [hbm4b:s5+s2], $0x200, $0x38;
	[tilespmem:$0x12600] =	vst v63  }
0x15: {  	_ = 	snop  }
0x16: {  	[tilespmem:s10], [sflag:$0x1] =	stream.linear.gather [hbm4b:s6+s2], $0xA00, $0x38;
	[tilespmem:$0x12600] =	vst v63  }
0x17: {  	_ =	swait.ge [sflag:s11], $0x200  }
0x18: {  	[sflag:s11] =	ssyncset.done $0x0  }
0x19: {  	[sflag:s11] =	ssyncadd.s32 $0xFFFFFE00  }
0x1a: {  	_ =	swait.ge [sflag:s11], $0x200  }
0x1b: {  	[sflag:s11] =	ssyncset.done $0x0  }
0x1c: {  	[sflag:s11] =	ssyncadd.s32 $0xFFFFFE00  }
0x1d: {  	_ =	swait.ge [sflag:s11], $0xA00  }
0x1e: {  	[sflag:s11] =	ssyncset.done $0x0  }
0x1f: {  	s0 =	simm.s32 $0x0;
	[sflag:s11] =	ssyncadd.s32 $0xFFFFF600  }
0x20: {  	v6 =	vld [tilespmem:s0+$0x0]  }
0x21: {  	s29 =	simm.s32 $0x40;
	v7 =	vld [tilespmem:s0+$0x200]  }
.LBB2_2:
0x22: {  	p0 =	sne.s32 s29, $0x7C0  }
.Ltmp0:
0x23: {  	_ = 	snop;
	(pc) =	sbr.rel @p0 .LBB2_2-.Ltmp0, $4  }
0x24: {  	_ = 	snop  }
0x25: {  	s30 =	sshra.s32 s29, $0x2;
	s29 =	sadd.s32 $0x40, s29;
	v8 =	vshll.u32 v6, $0xA  }
0x26: {  	v6 =	vld [tilespmem:s30+$0x0];
	v8 =	vor.u32 v7, v8  }
0x27: {  	v7 =	vld [tilespmem:s30+$0x200];
	[tilespmem:s0+$0xE00] =	vst v8;
	s0 =	smov.u32 s30  }
0x28: {  	_ =	sdelay $0x2  }
0x29: {  	v6 =	vshll.u32 v6, $0xA  }
0x2a: {  	s29 =	simm.s32 $0x0;
	v6 =	vor.u32 v7, v6  }
0x2b: {  	[tilespmem:s0+$0xE00] =	vst v6;
	v6 =	vmov s29  }
0x2c: {  	v6 =	vmul.u32 $0x5, v6  }
0x2d: {  	s1 =	simm.s32 $0x1A00;
	s0 =	simm.s32 $0xE00  }
0x2e: {  	[tilespmem:s1], [sflag:$0x2] =	stream.indirect.gather [hbm4b:s3+s12], $0x1, s0, s12, $0xb8;
	v6 =	vbroadcast v6, $0x0;
	[tilespmem:$0x12600] =	vst v63  }
0x2f: {  	s0 =	simm.s32 $0xE80;
	s1 =	simm.s32 $0x1A80  }
0x30: {  	[tilespmem:s1], [sflag:$0x2] =	stream.indirect.gather [hbm4b:s3+s12], $0x1, s0, s12, $0xb8;
	v6 =	vadd.s32 v0, v6;
	[tilespmem:$0x12600] =	vst v63  }
0x31: {  	s0 =	simm.s32 $0xF00;
	s1 =	simm.s32 $0x1B00  }
0x32: {  	[tilespmem:s1], [sflag:$0x2] =	stream.indirect.gather [hbm4b:s3+s12], $0x1, s0, s12, $0xb8;
	[tilespmem:$0x12600] =	vst v63  }
0x33: {  	s30 =	simm.s32 $0x10;
	s0 =	simm.s32 $0xF80;
	s1 =	simm.s32 $0x1B80  }
0x34: {  	v7 =	vmov s30;
	[tilespmem:s1], [sflag:$0x2] =	stream.indirect.gather [hbm4b:s3+s12], $0x1, s0, s12, $0xb8;
	[tilespmem:$0x12600] =	vst v63  }
0x35: {  	s31 =	simm.s32 $0x0;
	v7 =	vmul.u32 $0x5, v7;
	s0 =	simm.s32 $0x20;
	v6 =	vld.idx.msk [tilespmem:v6+s10+$0x0], $0xffff  }
.LBB2_4:
0x36: {  	p0 =	sne.s32 s0, $0x1F0;
	v8 =	vld [tilespmem:s29+$0x0]  }
0x37: {  	v7 =	vbroadcast v7, $0x0;
	_ =	sdelay $0x1  }
0x38: {  	v9 =	vadd.s32 v0, v7  }
.Ltmp1:
0x39: {  	(pc) =	sbr.rel @p0 .LBB2_4-.Ltmp1, $4  }
0x3a: {  	v7 =	vshll.u32 v8, $0xA  }
0x3b: {  	s1 =	sand.u32 $0x1F0, s31;
	s31 =	smov.u32 s30;
	s30 =	smov.u32 s0;
	v6 =	vor.u32 v6, v7  }
0x3c: {  	v7 =	vmov s0;
	[tilespmem:s1+$0x1000] =	vst v6  }
0x3d: {  	s29 =	sadd.s32 $0x10, s29;
	s0 =	sadd.s32 $0x10, s0;
	v7 =	vmul.u32 $0x5, v7;
	v6 =	vld.idx.msk [tilespmem:v9+s10+$0x0], $0xffff  }
0x3e: {  	v8 =	vld [tilespmem:s29+$0x0];
	_ =	sdelay $0x1  }
0x3f: {  	v7 =	vbroadcast v7, $0x0;
	_ =	sdelay $0x1  }
0x40: {  	v7 =	vadd.s32 v0, v7  }
0x41: {  	v8 =	vshll.u32 v8, $0xA  }
0x42: {  	s0 =	sand.u32 $0x1F0, s31;
	v6 =	vor.u32 v6, v8  }
0x43: {  	s1 =	sadd.s32 $0x10, s29;
	[tilespmem:s0+$0x1000] =	vst v6  }
0x44: {  	v6 =	vld [tilespmem:s1+$0x0]  }
0x45: {  	v7 =	vld.idx.msk [tilespmem:v7+s10+$0x0], $0xffff;
	_ =	sdelay $0x3  }
0x46: {  	v6 =	vshll.u32 v6, $0xA  }
0x47: {  	s29 =	simm.s32 $0x0;
	s1 =	sand.u32 $0x1F0, s30;
	v6 =	vor.u32 v7, v6  }
0x48: {  	[tilespmem:s1+$0x1000] =	vst v6;
	v6 =	vmov s29  }
0x49: {  	v6 =	vmul.u32 $0x5, v6  }
0x4a: {  	s0 =	simm.s32 $0x1000;
	s1 =	simm.s32 $0x1C00  }
0x4b: {  	[tilespmem:s1], [sflag:$0x3] =	stream.indirect.gather [hbm4b:s3+s12], $0x1, s0, s12, $0xb8;
	v6 =	vbroadcast v6, $0x0;
	[tilespmem:$0x12600] =	vst v63  }
0x4c: {  	s0 =	simm.s32 $0x1080;
	s1 =	simm.s32 $0x1C80  }
0x4d: {  	[tilespmem:s1], [sflag:$0x3] =	stream.indirect.gather [hbm4b:s3+s12], $0x1, s0, s12, $0xb8;
	v6 =	vadd.s32 v1, v6;
	[tilespmem:$0x12600] =	vst v63  }
0x4e: {  	s0 =	simm.s32 $0x1100;
	s1 =	simm.s32 $0x1D00  }
0x4f: {  	[tilespmem:s1], [sflag:$0x3] =	stream.indirect.gather [hbm4b:s3+s12], $0x1, s0, s12, $0xb8;
	[tilespmem:$0x12600] =	vst v63  }
0x50: {  	s30 =	simm.s32 $0x10;
	s0 =	simm.s32 $0x1180;
	s1 =	simm.s32 $0x1D80  }
0x51: {  	v7 =	vmov s30;
	[tilespmem:s1], [sflag:$0x3] =	stream.indirect.gather [hbm4b:s3+s12], $0x1, s0, s12, $0xb8;
	[tilespmem:$0x12600] =	vst v63  }
0x52: {  	s31 =	simm.s32 $0x0;
	v7 =	vmul.u32 $0x5, v7;
	s0 =	simm.s32 $0x20;
	v6 =	vld.idx.msk [tilespmem:v6+s10+$0x0], $0xffff  }
.LBB2_6:
0x53: {  	p0 =	sne.s32 s0, $0x1F0;
	v8 =	vld [tilespmem:s29+$0x0]  }
0x54: {  	v7 =	vbroadcast v7, $0x0;
	_ =	sdelay $0x1  }
0x55: {  	v9 =	vadd.s32 v1, v7  }
.Ltmp2:
0x56: {  	(pc) =	sbr.rel @p0 .LBB2_6-.Ltmp2, $4  }
0x57: {  	v7 =	vshll.u32 v8, $0xA  }
0x58: {  	s1 =	sand.u32 $0x1F0, s31;
	s31 =	smov.u32 s30;
	s30 =	smov.u32 s0;
	v6 =	vor.u32 v6, v7  }
0x59: {  	v7 =	vmov s0;
	[tilespmem:s1+$0x1200] =	vst v6  }
0x5a: {  	s29 =	sadd.s32 $0x10, s29;
	s0 =	sadd.s32 $0x10, s0;
	v7 =	vmul.u32 $0x5, v7;
	v6 =	vld.idx.msk [tilespmem:v9+s10+$0x0], $0xffff  }
0x5b: {  	v8 =	vld [tilespmem:s29+$0x0];
	_ =	sdelay $0x1  }
0x5c: {  	v7 =	vbroadcast v7, $0x0;
	_ =	sdelay $0x1  }
0x5d: {  	v7 =	vadd.s32 v1, v7  }
0x5e: {  	v8 =	vshll.u32 v8, $0xA  }
0x5f: {  	s0 =	sand.u32 $0x1F0, s31;
	v6 =	vor.u32 v6, v8  }
0x60: {  	s1 =	sadd.s32 $0x10, s29;
	[tilespmem:s0+$0x1200] =	vst v6  }
0x61: {  	v6 =	vld [tilespmem:s1+$0x0]  }
0x62: {  	v7 =	vld.idx.msk [tilespmem:v7+s10+$0x0], $0xffff;
	_ =	sdelay $0x3  }
0x63: {  	v6 =	vshll.u32 v6, $0xA  }
0x64: {  	s29 =	simm.s32 $0x0;
	s1 =	sand.u32 $0x1F0, s30;
	v6 =	vor.u32 v7, v6  }
0x65: {  	[tilespmem:s1+$0x1200] =	vst v6;
	v6 =	vmov s29  }
0x66: {  	v6 =	vmul.u32 $0x5, v6  }
0x67: {  	s0 =	simm.s32 $0x1200;
	s1 =	simm.s32 $0x1E00  }
0x68: {  	[tilespmem:s1], [sflag:$0x4] =	stream.indirect.gather [hbm4b:s3+s12], $0x1, s0, s12, $0xb8;
	v6 =	vbroadcast v6, $0x0;
	[tilespmem:$0x12600] =	vst v63  }
0x69: {  	s0 =	simm.s32 $0x1280;
	s1 =	simm.s32 $0x1E80  }
0x6a: {  	[tilespmem:s1], [sflag:$0x4] =	stream.indirect.gather [hbm4b:s3+s12], $0x1, s0, s12, $0xb8;
	v6 =	vadd.s32 v2, v6;
	[tilespmem:$0x12600] =	vst v63  }
0x6b: {  	s0 =	simm.s32 $0x1300;
	s1 =	simm.s32 $0x1F00  }
0x6c: {  	[tilespmem:s1], [sflag:$0x4] =	stream.indirect.gather [hbm4b:s3+s12], $0x1, s0, s12, $0xb8;
	[tilespmem:$0x12600] =	vst v63  }
0x6d: {  	s30 =	simm.s32 $0x10;
	s0 =	simm.s32 $0x1380;
	s1 =	simm.s32 $0x1F80  }
0x6e: {  	v7 =	vmov s30;
	[tilespmem:s1], [sflag:$0x4] =	stream.indirect.gather [hbm4b:s3+s12], $0x1, s0, s12, $0xb8;
	[tilespmem:$0x12600] =	vst v63  }
0x6f: {  	s31 =	simm.s32 $0x0;
	v7 =	vmul.u32 $0x5, v7;
	s0 =	simm.s32 $0x20;
	v6 =	vld.idx.msk [tilespmem:v6+s10+$0x0], $0xffff  }
.LBB2_8:
0x70: {  	p0 =	sne.s32 s0, $0x1F0;
	v8 =	vld [tilespmem:s29+$0x0]  }
0x71: {  	v7 =	vbroadcast v7, $0x0;
	_ =	sdelay $0x1  }
0x72: {  	v9 =	vadd.s32 v2, v7  }
.Ltmp3:
0x73: {  	(pc) =	sbr.rel @p0 .LBB2_8-.Ltmp3, $4  }
0x74: {  	v7 =	vshll.u32 v8, $0xA  }
0x75: {  	s1 =	sand.u32 $0x1F0, s31;
	s31 =	smov.u32 s30;
	s30 =	smov.u32 s0;
	v6 =	vor.u32 v6, v7  }
0x76: {  	v7 =	vmov s0;
	[tilespmem:s1+$0x1400] =	vst v6  }
0x77: {  	s29 =	sadd.s32 $0x10, s29;
	s0 =	sadd.s32 $0x10, s0;
	v7 =	vmul.u32 $0x5, v7;
	v6 =	vld.idx.msk [tilespmem:v9+s10+$0x0], $0xffff  }
0x78: {  	v8 =	vld [tilespmem:s29+$0x0];
	_ =	sdelay $0x1  }
0x79: {  	v7 =	vbroadcast v7, $0x0;
	_ =	sdelay $0x1  }
0x7a: {  	v7 =	vadd.s32 v2, v7  }
0x7b: {  	v8 =	vshll.u32 v8, $0xA  }
0x7c: {  	s0 =	sand.u32 $0x1F0, s31;
	v6 =	vor.u32 v6, v8  }
0x7d: {  	s1 =	sadd.s32 $0x10, s29;
	[tilespmem:s0+$0x1400] =	vst v6  }
0x7e: {  	v6 =	vld [tilespmem:s1+$0x0]  }
0x7f: {  	v7 =	vld.idx.msk [tilespmem:v7+s10+$0x0], $0xffff;
	_ =	sdelay $0x3  }
0x80: {  	v6 =	vshll.u32 v6, $0xA  }
0x81: {  	s29 =	simm.s32 $0x0;
	s1 =	sand.u32 $0x1F0, s30;
	v6 =	vor.u32 v7, v6  }
0x82: {  	[tilespmem:s1+$0x1400] =	vst v6;
	v6 =	vmov s29  }
0x83: {  	v6 =	vmul.u32 $0x5, v6  }
0x84: {  	s0 =	simm.s32 $0x1400;
	s1 =	simm.s32 $0x2000  }
0x85: {  	[tilespmem:s1], [sflag:$0x5] =	stream.indirect.gather [hbm4b:s3+s12], $0x1, s0, s12, $0xb8;
	v6 =	vbroadcast v6, $0x0;
	[tilespmem:$0x12600] =	vst v63  }
0x86: {  	s0 =	simm.s32 $0x1480;
	s1 =	simm.s32 $0x2080  }
0x87: {  	[tilespmem:s1], [sflag:$0x5] =	stream.indirect.gather [hbm4b:s3+s12], $0x1, s0, s12, $0xb8;
	v6 =	vadd.s32 v3, v6;
	[tilespmem:$0x12600] =	vst v63  }
0x88: {  	s0 =	simm.s32 $0x1500;
	s1 =	simm.s32 $0x2100  }
0x89: {  	[tilespmem:s1], [sflag:$0x5] =	stream.indirect.gather [hbm4b:s3+s12], $0x1, s0, s12, $0xb8;
	[tilespmem:$0x12600] =	vst v63  }
0x8a: {  	s30 =	simm.s32 $0x10;
	s0 =	simm.s32 $0x1580;
	s1 =	simm.s32 $0x2180  }
0x8b: {  	v7 =	vmov s30;
	[tilespmem:s1], [sflag:$0x5] =	stream.indirect.gather [hbm4b:s3+s12], $0x1, s0, s12, $0xb8;
	[tilespmem:$0x12600] =	vst v63  }
0x8c: {  	s31 =	simm.s32 $0x0;
	v7 =	vmul.u32 $0x5, v7;
	s0 =	simm.s32 $0x20;
	v6 =	vld.idx.msk [tilespmem:v6+s10+$0x0], $0xffff  }
.LBB2_10:
0x8d: {  	p0 =	sne.s32 s0, $0x1F0;
	v8 =	vld [tilespmem:s29+$0x0]  }
0x8e: {  	v7 =	vbroadcast v7, $0x0;
	_ =	sdelay $0x1  }
0x8f: {  	v9 =	vadd.s32 v3, v7  }
.Ltmp4:
0x90: {  	(pc) =	sbr.rel @p0 .LBB2_10-.Ltmp4, $4  }
0x91: {  	v7 =	vshll.u32 v8, $0xA  }
0x92: {  	s1 =	sand.u32 $0x1F0, s31;
	s31 =	smov.u32 s30;
	s30 =	smov.u32 s0;
	v6 =	vor.u32 v6, v7  }
0x93: {  	v7 =	vmov s0;
	[tilespmem:s1+$0x1600] =	vst v6  }
0x94: {  	s29 =	sadd.s32 $0x10, s29;
	s0 =	sadd.s32 $0x10, s0;
	v7 =	vmul.u32 $0x5, v7;
	v6 =	vld.idx.msk [tilespmem:v9+s10+$0x0], $0xffff  }
0x95: {  	v8 =	vld [tilespmem:s29+$0x0];
	_ =	sdelay $0x1  }
0x96: {  	v7 =	vbroadcast v7, $0x0;
	_ =	sdelay $0x1  }
0x97: {  	v7 =	vadd.s32 v3, v7  }
0x98: {  	v8 =	vshll.u32 v8, $0xA  }
0x99: {  	s0 =	sand.u32 $0x1F0, s31;
	v6 =	vor.u32 v6, v8  }
0x9a: {  	s1 =	sadd.s32 $0x10, s29;
	[tilespmem:s0+$0x1600] =	vst v6  }
0x9b: {  	v6 =	vld [tilespmem:s1+$0x0]  }
0x9c: {  	v7 =	vld.idx.msk [tilespmem:v7+s10+$0x0], $0xffff;
	_ =	sdelay $0x3  }
0x9d: {  	v6 =	vshll.u32 v6, $0xA  }
0x9e: {  	s29 =	simm.s32 $0x0;
	s1 =	sand.u32 $0x1F0, s30;
	v6 =	vor.u32 v7, v6  }
0x9f: {  	[tilespmem:s1+$0x1600] =	vst v6;
	v6 =	vmov s29  }
0xa0: {  	v6 =	vmul.u32 $0x5, v6  }
0xa1: {  	s0 =	simm.s32 $0x1600;
	s1 =	simm.s32 $0x2200  }
0xa2: {  	[tilespmem:s1], [sflag:$0x6] =	stream.indirect.gather [hbm4b:s3+s12], $0x1, s0, s12, $0xb8;
	v6 =	vbroadcast v6, $0x0;
	[tilespmem:$0x12600] =	vst v63  }
0xa3: {  	s0 =	simm.s32 $0x1680;
	s1 =	simm.s32 $0x2280  }
0xa4: {  	[tilespmem:s1], [sflag:$0x6] =	stream.indirect.gather [hbm4b:s3+s12], $0x1, s0, s12, $0xb8;
	v6 =	vadd.s32 v4, v6;
	[tilespmem:$0x12600] =	vst v63  }
0xa5: {  	s0 =	simm.s32 $0x1700;
	s1 =	simm.s32 $0x2300  }
0xa6: {  	[tilespmem:s1], [sflag:$0x6] =	stream.indirect.gather [hbm4b:s3+s12], $0x1, s0, s12, $0xb8;
	[tilespmem:$0x12600] =	vst v63  }
0xa7: {  	s30 =	simm.s32 $0x10;
	s0 =	simm.s32 $0x1780;
	s1 =	simm.s32 $0x2380  }
0xa8: {  	v7 =	vmov s30;
	[tilespmem:s1], [sflag:$0x6] =	stream.indirect.gather [hbm4b:s3+s12], $0x1, s0, s12, $0xb8;
	[tilespmem:$0x12600] =	vst v63  }
0xa9: {  	s31 =	simm.s32 $0x0;
	v7 =	vmul.u32 $0x5, v7;
	s0 =	simm.s32 $0x20;
	v6 =	vld.idx.msk [tilespmem:v6+s10+$0x0], $0xffff  }
.LBB2_12:
0xaa: {  	p0 =	sne.s32 s0, $0x1F0;
	v8 =	vld [tilespmem:s29+$0x0]  }
0xab: {  	v7 =	vbroadcast v7, $0x0;
	_ =	sdelay $0x1  }
0xac: {  	v9 =	vadd.s32 v4, v7  }
.Ltmp5:
0xad: {  	(pc) =	sbr.rel @p0 .LBB2_12-.Ltmp5, $4  }
0xae: {  	v7 =	vshll.u32 v8, $0xA  }
0xaf: {  	s1 =	sand.u32 $0x1F0, s31;
	s31 =	smov.u32 s30;
	s30 =	smov.u32 s0;
	v6 =	vor.u32 v6, v7  }
0xb0: {  	v7 =	vmov s0;
	[tilespmem:s1+$0x1800] =	vst v6  }
0xb1: {  	s29 =	sadd.s32 $0x10, s29;
	s0 =	sadd.s32 $0x10, s0;
	v7 =	vmul.u32 $0x5, v7;
	v6 =	vld.idx.msk [tilespmem:v9+s10+$0x0], $0xffff  }
0xb2: {  	v8 =	vld [tilespmem:s29+$0x0];
	_ =	sdelay $0x1  }
0xb3: {  	v7 =	vbroadcast v7, $0x0;
	_ =	sdelay $0x1  }
0xb4: {  	v7 =	vadd.s32 v4, v7  }
0xb5: {  	v8 =	vshll.u32 v8, $0xA  }
0xb6: {  	s0 =	sand.u32 $0x1F0, s31;
	v6 =	vor.u32 v6, v8  }
0xb7: {  	s1 =	sadd.s32 $0x10, s29;
	[tilespmem:s0+$0x1800] =	vst v6  }
0xb8: {  	v6 =	vld [tilespmem:s1+$0x0]  }
0xb9: {  	v7 =	vld.idx.msk [tilespmem:v7+s10+$0x0], $0xffff;
	_ =	sdelay $0x3  }
0xba: {  	v6 =	vshll.u32 v6, $0xA  }
0xbb: {  	s30 =	sand.u32 $0x1F0, s30;
	v6 =	vor.u32 v7, v6  }
0xbc: {  	s31 =	simm.s32 $0x1800;
	[tilespmem:s30+$0x1800] =	vst v6  }
0xbd: {  	[tilespmem:s9], [sflag:$0x7] =	stream.indirect.gather [hbm4b:s3+s12], $0x1, s31, s12, $0xb8;
	[tilespmem:$0x12600] =	vst v63  }
0xbe: {  	_ = 	snop  }
0xbf: {  	[tilespmem:s14], [sflag:$0x7] =	stream.indirect.gather [hbm4b:s3+s12], $0x1, s13, s12, $0xb8;
	[tilespmem:$0x12600] =	vst v63  }
0xc0: {  	_ = 	snop  }
0xc1: {  	[tilespmem:s16], [sflag:$0x7] =	stream.indirect.gather [hbm4b:s3+s12], $0x1, s15, s12, $0xb8;
	[tilespmem:$0x12600] =	vst v63  }
0xc2: {  	_ = 	snop  }
0xc3: {  	[tilespmem:s18], [sflag:$0x7] =	stream.indirect.gather [hbm4b:s3+s12], $0x1, s17, s12, $0xb8;
	[tilespmem:$0x12600] =	vst v63  }
0xc4: {  	_ =	swait.ge [sflag:s19], $0x80  }
0xc5: {  	[sflag:s19] =	ssyncset.done $0x0  }
0xc6: {  	[sflag:s19] =	ssyncadd.s32 $0xFFFFFF80  }
0xc7: {  	_ =	swait.ge [sflag:s19], $0x80  }
0xc8: {  	[sflag:s19] =	ssyncset.done $0x0  }
0xc9: {  	[sflag:s19] =	ssyncadd.s32 $0xFFFFFF80  }
0xca: {  	_ =	swait.ge [sflag:s19], $0x80  }
0xcb: {  	[sflag:s19] =	ssyncset.done $0x0  }
0xcc: {  	[sflag:s19] =	ssyncadd.s32 $0xFFFFFF80  }
0xcd: {  	_ =	swait.ge [sflag:s19], $0x80  }
0xce: {  	s1 =	simm.s32 $0x0;
	[sflag:s19] =	ssyncset.done $0x0  }
0xcf: {  	s29 =	simm.s32 $0x10;
	s0 =	simm.s32 $0x1A00;
	v6 =	vmov s1;
	[sflag:s19] =	ssyncadd.s32 $0xFFFFFF80  }
.LBB2_14:
0xd0: {  	p0 =	sne.s32 s29, $0x1F0;
	v7 =	vld [tilespmem:s0+$0x0];
	v6 =	vshll.u32 v6, $0x7  }
0xd1: {  	v8 =	vor.u32 v5, v6  }
.Ltmp6:
0xd2: {  	(pc) =	sbr.rel @p0 .LBB2_14-.Ltmp6, $3  }
0xd3: {  	_ =	sdelay $0x1  }
0xd4: {  	v7 =	vshll.u32 v7, $0x10  }
0xd5: {  	s0 =	sadd.s32 $0x10, s0;
	v6 =	vmov s29;
	s29 =	sadd.s32 $0x10, s29;
	[tilespmem:v8+s20+$0x0] =	vst.idx.msk $0xffff, v7  }
0xd6: {  	v7 =	vld [tilespmem:s0+$0x0];
	v6 =	vshll.u32 v6, $0x7  }
0xd7: {  	v6 =	vor.u32 v5, v6;
	_ =	sdelay $0x3  }
0xd8: {  	v7 =	vshll.u32 v7, $0x10  }
0xd9: {  	[tilespmem:v6+s20+$0x0] =	vst.idx.msk $0xffff, v7  }
0xda: {  	_ =	swait.ge [sflag:s21], $0x80  }
0xdb: {  	[sflag:s21] =	ssyncset.done $0x0  }
0xdc: {  	[sflag:s21] =	ssyncadd.s32 $0xFFFFFF80  }
0xdd: {  	_ =	swait.ge [sflag:s21], $0x80  }
0xde: {  	[sflag:s21] =	ssyncset.done $0x0  }
0xdf: {  	[sflag:s21] =	ssyncadd.s32 $0xFFFFFF80  }
0xe0: {  	_ =	swait.ge [sflag:s21], $0x80  }
0xe1: {  	[sflag:s21] =	ssyncset.done $0x0  }
0xe2: {  	[sflag:s21] =	ssyncadd.s32 $0xFFFFFF80  }
0xe3: {  	s31 =	simm.s32 $0x0;
	_ =	swait.ge [sflag:s21], $0x80  }
0xe4: {  	v6 =	vmov s31;
	[sflag:s21] =	ssyncset.done $0x0  }
0xe5: {  	s1 =	sand.u32 $0x1F0, s31;
	v6 =	vshll.u32 v6, $0x7;
	[sflag:s21] =	ssyncadd.s32 $0xFFFFFF80  }
0xe6: {  	v6 =	vor.u32 v5, v6;
	v8 =	vld [tilespmem:s1+$0x1C00]  }
0xe7: {  	v6 =	vor.u32 $0x1, v6;
	_ =	sdelay $0x2  }
0xe8: {  	s0 =	simm.s32 $0x10  }
0xe9: {  	s29 =	simm.s32 $0x20;
	v7 =	vmov s0;
	v8 =	vand.u32 $0xFFFF0000, v8  }
.LBB2_16:
0xea: {  	p0 =	sne.s32 s29, $0x1F0;
	s1 =	sand.u32 $0x1F0, s0;
	v7 =	vshll.u32 v7, $0x7;
	[tilespmem:v6+s20+$0x0] =	vst.idx.msk $0xffff, v8;
	s0 =	smov.u32 s29  }
0xeb: {  	v8 =	vld [tilespmem:s1+$0x1C00];
	v6 =	vor.u32 v5, v7  }
.Ltmp7:
0xec: {  	v6 =	vor.u32 $0x1, v6;
	(pc) =	sbr.rel @p0 .LBB2_16-.Ltmp7, $2  }
0xed: {  	_ =	sdelay $0x2  }
0xee: {  	s29 =	sadd.s32 $0x10, s29;
	v7 =	vmov s0;
	v8 =	vand.u32 $0xFFFF0000, v8  }
0xef: {  	_ =	sdelay $0x3  }
0xf0: {  	s0 =	sand.u32 $0x1F0, s0;
	v7 =	vshll.u32 v7, $0x7;
	[tilespmem:v6+s20+$0x0] =	vst.idx.msk $0xffff, v8  }
0xf1: {  	v6 =	vld [tilespmem:s0+$0x1C00];
	v7 =	vor.u32 v5, v7  }
0xf2: {  	v7 =	vor.u32 $0x1, v7;
	_ =	sdelay $0x3  }
0xf3: {  	v6 =	vand.u32 $0xFFFF0000, v6  }
0xf4: {  	[tilespmem:v7+s20+$0x0] =	vst.idx.msk $0xffff, v6  }
0xf5: {  	_ =	swait.ge [sflag:s22], $0x80  }
0xf6: {  	[sflag:s22] =	ssyncset.done $0x0  }
0xf7: {  	[sflag:s22] =	ssyncadd.s32 $0xFFFFFF80  }
0xf8: {  	_ =	swait.ge [sflag:s22], $0x80  }
0xf9: {  	[sflag:s22] =	ssyncset.done $0x0  }
0xfa: {  	[sflag:s22] =	ssyncadd.s32 $0xFFFFFF80  }
0xfb: {  	_ =	swait.ge [sflag:s22], $0x80  }
0xfc: {  	[sflag:s22] =	ssyncset.done $0x0  }
0xfd: {  	[sflag:s22] =	ssyncadd.s32 $0xFFFFFF80  }
0xfe: {  	s31 =	simm.s32 $0x0;
	_ =	swait.ge [sflag:s22], $0x80  }
0xff: {  	v6 =	vmov s31;
	[sflag:s22] =	ssyncset.done $0x0  }
0x100: {  	s1 =	sand.u32 $0x1F0, s31;
	v6 =	vshll.u32 v6, $0x7;
	[sflag:s22] =	ssyncadd.s32 $0xFFFFFF80  }
0x101: {  	v6 =	vor.u32 v5, v6;
	v8 =	vld [tilespmem:s1+$0x1E00]  }
0x102: {  	v6 =	vor.u32 $0x2, v6;
	_ =	sdelay $0x2  }
0x103: {  	s0 =	simm.s32 $0x10  }
0x104: {  	s29 =	simm.s32 $0x20;
	v7 =	vmov s0;
	v8 =	vand.u32 $0xFFFF0000, v8  }
.LBB2_18:
0x105: {  	p0 =	sne.s32 s29, $0x1F0;
	s1 =	sand.u32 $0x1F0, s0;
	v7 =	vshll.u32 v7, $0x7;
	[tilespmem:v6+s20+$0x0] =	vst.idx.msk $0xffff, v8;
	s0 =	smov.u32 s29  }
0x106: {  	v8 =	vld [tilespmem:s1+$0x1E00];
	v6 =	vor.u32 v5, v7  }
.Ltmp8:
0x107: {  	v6 =	vor.u32 $0x2, v6;
	(pc) =	sbr.rel @p0 .LBB2_18-.Ltmp8, $2  }
0x108: {  	_ =	sdelay $0x2  }
0x109: {  	s29 =	sadd.s32 $0x10, s29;
	v7 =	vmov s0;
	v8 =	vand.u32 $0xFFFF0000, v8  }
0x10a: {  	_ =	sdelay $0x3  }
0x10b: {  	s0 =	sand.u32 $0x1F0, s0;
	v7 =	vshll.u32 v7, $0x7;
	[tilespmem:v6+s20+$0x0] =	vst.idx.msk $0xffff, v8  }
0x10c: {  	v6 =	vld [tilespmem:s0+$0x1E00];
	v7 =	vor.u32 v5, v7  }
0x10d: {  	v7 =	vor.u32 $0x2, v7;
	_ =	sdelay $0x3  }
0x10e: {  	v6 =	vand.u32 $0xFFFF0000, v6  }
0x10f: {  	[tilespmem:v7+s20+$0x0] =	vst.idx.msk $0xffff, v6  }
0x110: {  	_ =	swait.ge [sflag:s23], $0x80  }
0x111: {  	[sflag:s23] =	ssyncset.done $0x0  }
0x112: {  	[sflag:s23] =	ssyncadd.s32 $0xFFFFFF80  }
0x113: {  	_ =	swait.ge [sflag:s23], $0x80  }
0x114: {  	[sflag:s23] =	ssyncset.done $0x0  }
0x115: {  	[sflag:s23] =	ssyncadd.s32 $0xFFFFFF80  }
0x116: {  	_ =	swait.ge [sflag:s23], $0x80  }
0x117: {  	[sflag:s23] =	ssyncset.done $0x0  }
0x118: {  	[sflag:s23] =	ssyncadd.s32 $0xFFFFFF80  }
0x119: {  	s31 =	simm.s32 $0x0;
	_ =	swait.ge [sflag:s23], $0x80  }
0x11a: {  	v6 =	vmov s31;
	[sflag:s23] =	ssyncset.done $0x0  }
0x11b: {  	s1 =	sand.u32 $0x1F0, s31;
	v6 =	vshll.u32 v6, $0x7;
	[sflag:s23] =	ssyncadd.s32 $0xFFFFFF80  }
0x11c: {  	v6 =	vor.u32 v5, v6;
	v8 =	vld [tilespmem:s1+$0x2000]  }
0x11d: {  	v6 =	vor.u32 $0x3, v6;
	_ =	sdelay $0x2  }
0x11e: {  	s0 =	simm.s32 $0x10  }
0x11f: {  	s29 =	simm.s32 $0x20;
	v7 =	vmov s0;
	v8 =	vand.u32 $0xFFFF0000, v8  }
.LBB2_20:
0x120: {  	p0 =	sne.s32 s29, $0x1F0;
	s1 =	sand.u32 $0x1F0, s0;
	v7 =	vshll.u32 v7, $0x7;
	[tilespmem:v6+s20+$0x0] =	vst.idx.msk $0xffff, v8;
	s0 =	smov.u32 s29  }
0x121: {  	v8 =	vld [tilespmem:s1+$0x2000];
	v6 =	vor.u32 v5, v7  }
.Ltmp9:
0x122: {  	v6 =	vor.u32 $0x3, v6;
	(pc) =	sbr.rel @p0 .LBB2_20-.Ltmp9, $2  }
0x123: {  	_ =	sdelay $0x2  }
0x124: {  	s29 =	sadd.s32 $0x10, s29;
	v7 =	vmov s0;
	v8 =	vand.u32 $0xFFFF0000, v8  }
0x125: {  	_ =	sdelay $0x3  }
0x126: {  	s0 =	sand.u32 $0x1F0, s0;
	v7 =	vshll.u32 v7, $0x7;
	[tilespmem:v6+s20+$0x0] =	vst.idx.msk $0xffff, v8  }
0x127: {  	v6 =	vld [tilespmem:s0+$0x2000];
	v7 =	vor.u32 v5, v7  }
0x128: {  	v7 =	vor.u32 $0x3, v7;
	_ =	sdelay $0x3  }
0x129: {  	v6 =	vand.u32 $0xFFFF0000, v6  }
0x12a: {  	[tilespmem:v7+s20+$0x0] =	vst.idx.msk $0xffff, v6  }
0x12b: {  	_ =	swait.ge [sflag:s24], $0x80  }
0x12c: {  	[sflag:s24] =	ssyncset.done $0x0  }
0x12d: {  	[sflag:s24] =	ssyncadd.s32 $0xFFFFFF80  }
0x12e: {  	_ =	swait.ge [sflag:s24], $0x80  }
0x12f: {  	[sflag:s24] =	ssyncset.done $0x0  }
0x130: {  	[sflag:s24] =	ssyncadd.s32 $0xFFFFFF80  }
0x131: {  	_ =	swait.ge [sflag:s24], $0x80  }
0x132: {  	[sflag:s24] =	ssyncset.done $0x0  }
0x133: {  	[sflag:s24] =	ssyncadd.s32 $0xFFFFFF80  }
0x134: {  	s31 =	simm.s32 $0x0;
	_ =	swait.ge [sflag:s24], $0x80  }
0x135: {  	v6 =	vmov s31;
	[sflag:s24] =	ssyncset.done $0x0  }
0x136: {  	s1 =	sand.u32 $0x1F0, s31;
	v6 =	vshll.u32 v6, $0x7;
	[sflag:s24] =	ssyncadd.s32 $0xFFFFFF80  }
0x137: {  	v6 =	vor.u32 v5, v6;
	v8 =	vld [tilespmem:s1+$0x2200]  }
0x138: {  	v6 =	vor.u32 $0x4, v6;
	_ =	sdelay $0x2  }
0x139: {  	s0 =	simm.s32 $0x10  }
0x13a: {  	s29 =	simm.s32 $0x20;
	v7 =	vmov s0;
	v8 =	vand.u32 $0xFFFF0000, v8  }
.LBB2_22:
0x13b: {  	p0 =	sne.s32 s29, $0x1F0;
	s1 =	sand.u32 $0x1F0, s0;
	v7 =	vshll.u32 v7, $0x7;
	[tilespmem:v6+s20+$0x0] =	vst.idx.msk $0xffff, v8;
	s0 =	smov.u32 s29  }
0x13c: {  	v8 =	vld [tilespmem:s1+$0x2200];
	v6 =	vor.u32 v5, v7  }
.Ltmp10:
0x13d: {  	v6 =	vor.u32 $0x4, v6;
	(pc) =	sbr.rel @p0 .LBB2_22-.Ltmp10, $2  }
0x13e: {  	_ =	sdelay $0x2  }
0x13f: {  	s29 =	sadd.s32 $0x10, s29;
	v7 =	vmov s0;
	v8 =	vand.u32 $0xFFFF0000, v8  }
0x140: {  	_ =	sdelay $0x3  }
0x141: {  	s0 =	sand.u32 $0x1F0, s0;
	v7 =	vshll.u32 v7, $0x7;
	[tilespmem:v6+s20+$0x0] =	vst.idx.msk $0xffff, v8  }
0x142: {  	v6 =	vld [tilespmem:s0+$0x2200];
	v7 =	vor.u32 v5, v7  }
0x143: {  	v7 =	vor.u32 $0x4, v7;
	_ =	sdelay $0x3  }
0x144: {  	v6 =	vand.u32 $0xFFFF0000, v6  }
0x145: {  	[tilespmem:v7+s20+$0x0] =	vst.idx.msk $0xffff, v6  }
0x146: {  	_ =	swait.ge [sflag:s25], $0x80  }
0x147: {  	[sflag:s25] =	ssyncset.done $0x0  }
0x148: {  	[sflag:s25] =	ssyncadd.s32 $0xFFFFFF80  }
0x149: {  	_ =	swait.ge [sflag:s25], $0x80  }
0x14a: {  	[sflag:s25] =	ssyncset.done $0x0  }
0x14b: {  	[sflag:s25] =	ssyncadd.s32 $0xFFFFFF80  }
0x14c: {  	_ =	swait.ge [sflag:s25], $0x80  }
0x14d: {  	[sflag:s25] =	ssyncset.done $0x0  }
0x14e: {  	[sflag:s25] =	ssyncadd.s32 $0xFFFFFF80  }
0x14f: {  	s31 =	simm.s32 $0x0;
	_ =	swait.ge [sflag:s25], $0x80  }
0x150: {  	v6 =	vmov s31;
	[sflag:s25] =	ssyncset.done $0x0  }
0x151: {  	s1 =	sand.u32 $0x1F0, s31;
	v6 =	vshll.u32 v6, $0x7;
	[sflag:s25] =	ssyncadd.s32 $0xFFFFFF80  }
0x152: {  	v6 =	vor.u32 v5, v6;
	v8 =	vld [tilespmem:s1+$0x2400]  }
0x153: {  	v6 =	vor.u32 $0x5, v6;
	_ =	sdelay $0x2  }
0x154: {  	s0 =	simm.s32 $0x10  }
0x155: {  	s29 =	simm.s32 $0x20;
	v7 =	vmov s0;
	v8 =	vand.u32 $0xFFFF0000, v8  }
.LBB2_24:
0x156: {  	p0 =	sne.s32 s29, $0x1F0;
	s1 =	sand.u32 $0x1F0, s0;
	v7 =	vshll.u32 v7, $0x7;
	[tilespmem:v6+s20+$0x0] =	vst.idx.msk $0xffff, v8;
	s0 =	smov.u32 s29  }
0x157: {  	v8 =	vld [tilespmem:s1+$0x2400];
	v6 =	vor.u32 v5, v7  }
.Ltmp11:
0x158: {  	v6 =	vor.u32 $0x5, v6;
	(pc) =	sbr.rel @p0 .LBB2_24-.Ltmp11, $2  }
0x159: {  	_ =	sdelay $0x2  }
0x15a: {  	s29 =	sadd.s32 $0x10, s29;
	v7 =	vmov s0;
	v8 =	vand.u32 $0xFFFF0000, v8  }
0x15b: {  	_ =	sdelay $0x3  }
0x15c: {  	s0 =	sand.u32 $0x1F0, s0;
	v7 =	vshll.u32 v7, $0x7;
	[tilespmem:v6+s20+$0x0] =	vst.idx.msk $0xffff, v8  }
0x15d: {  	v6 =	vld [tilespmem:s0+$0x2400];
	v7 =	vor.u32 v5, v7  }
0x15e: {  	v7 =	vor.u32 $0x5, v7;
	_ =	sdelay $0x2  }
0x15f: {  	s28 =	sadd.s32 $0x1, s28  }
0x160: {  	p0 =	sne.s32 s28, s8;
	v6 =	vand.u32 $0xFFFF0000, v6  }
.Ltmp12:
0x161: {  	[tilespmem:v7+s20+$0x0] =	vst.idx.msk $0xffff, v6;
	(pc) =	sbr.rel @p0 .LBB2_1-.Ltmp12, $4  }
0x162: {  	[hbm4b:s7+s2] =	stream.linear.scatter [tilespmem:s20], [sflag:$0x8], $0x10000, $0x38;
	[tilespmem:$0x12600] =	vst v63  }
0x163: {  	_ =	swait.ge [sflag:s26], $0x10000  }
0x164: {  	[sflag:s26] =	ssyncset.done $0x0  }
0x165: {  	[sflag:s26] =	ssyncadd.s32 $0xFFFF0000  }
0x166: {  	_ =	sfence.sel $0x180000  }
0x167: {  	[bflag:$0x0] =	sbarrier.arrive $0xFFFF  }
0x168: {  	_ =	strace $0x90000047  }
0x169: {  	s0 =	stileid.u32;
	[bflag:$0x2] =	sbarrier.arrive $0xFFFF  }
0x16a: {  	p0 =	sne.s32 s0, $0x0;
	s0 =	rddreg [dreg:$0x4]  }
0x16b: {  	s0 =	sadd.s32 @!p0 $0x100000, s0  }
0x16c: {  	[sflag:s0] =	ssyncadd.tile.s32 @!p0 $0x1;
	_ =	shalt  }
.Lfunc_end2:
_tile_overlayer_lowered:
.L_overlay_start_2:
0x16d: {  	(tag) =	ssettag $0x2  }
0x16e: {  	s0 =	rddreg [dreg:$0x0];
	s2 =	stileid.u32  }
0x16f: {  	s1 =	rddreg [dreg:$0x1];
	p0 =	sne.s32 s2, $0x0  }
0x170: {  	s3 =	rddreg [dreg:$0x2];
	[bflag:$0x3] =	sbarrier.arrive $0xFFFF;
	s2 =	simm.s32 @!p0 $0x1C08  }
0x171: {  	[timem:s3], [sflag:s2] =	dma.local @!p0 [hbm:s0], s1  }
0x172: {  	s0 =	simm.s32 @!p0 $0x8  }
0x173: {  	_ =	swait.ge @!p0 [sflag:s0], s1  }
0x174: {  	s1 =	ssub.s32 @!p0 $0x0, s1;
	[sflag:s0] =	ssyncset.done @!p0 $0x0  }
0x175: {  	[sflag:s0] =	ssyncadd.s32 @!p0 s1  }
0x176: {  	[bflag:$0x3] =	sbarrier.arrive $0xFFFF  }
0x177: {  	_ =	shalt  }

</sc_bundles>
